<compile_context>
chip_gen: v7x
topology: tpu7x:2x2x1
jax: 0.10.2.dev20260603
libtpu: 0.0.44.dev20260713+nightly
codegen_flags: <defaults>
</compile_context>

<pallas_src>
import functools
import math

import jax
import jax.numpy as jnp
from jax import lax
from jax.experimental import pallas as pl
from jax.experimental.pallas import tpu as pltpu
from jax.experimental.pallas import tpu_sc as plsc

_N_FEATS = 26
_VOCAB = 100000
_D_EMBED = 32
_D_MODEL = 1024
_B, _L = 1024, 50
_NTOK = _B * _L
_P = _N_FEATS * _D_EMBED

_NW = 32
_ROWS_PER_TILE = _P // _NW
_TCH = 6400
_NTCH = _NTOK // _TCH
assert _NTOK % _TCH == 0 and _TCH % 256 == 0


def _sc_gather_body(t_hbm, samp_hbm, out_hbm, vec_v, idx_v, out_v,
                    isems, osems):
    wid = lax.axis_index("s") * 2 + lax.axis_index("c")
    p0 = wid * _ROWS_PER_TILE

    def prow(i, _):
        p = p0 + i
        f = p // _D_EMBED
        pltpu.async_copy(samp_hbm.at[f, pl.ds(0, _TCH)], idx_v.at[0], isems[0])
        pltpu.sync_copy(t_hbm.at[p], vec_v)

        @pl.when(i > 0)
        def _():
            for b in range(2):
                pltpu.make_async_copy(
                    out_v.at[b], out_hbm.at[p, pl.ds(0, _TCH)], osems[b]).wait()

        for c in range(_NTCH):
            b = c % 2
            if c + 1 < _NTCH:
                pltpu.async_copy(samp_hbm.at[f, pl.ds((c + 1) * _TCH, _TCH)],
                                 idx_v.at[1 - b], isems[1 - b])
            pltpu.make_async_copy(
                samp_hbm.at[f, pl.ds(c * _TCH, _TCH)], idx_v.at[b],
                isems[b]).wait()
            if c >= 2:
                pltpu.make_async_copy(
                    out_v.at[b], out_hbm.at[p, pl.ds((c - 2) * _TCH, _TCH)],
                    osems[b]).wait()

            @plsc.parallel_loop(0, _TCH, 16, unroll=16)
            def _gather(s, b=b):
                iv = idx_v[b, pl.ds(s, 16)]
                out_v[b, pl.ds(s, 16)] = plsc.load_gather(vec_v, [iv])
            pltpu.async_copy(out_v.at[b], out_hbm.at[p, pl.ds(c * _TCH, _TCH)],
                             osems[b])
        return ()

    lax.fori_loop(0, _ROWS_PER_TILE, prow, ())
    for b in range(2):
        pltpu.make_async_copy(
            out_v.at[b], out_hbm.at[0, pl.ds(0, _TCH)], osems[b]).wait()


@functools.cache
def _sc_gather():
    return pl.kernel(
        _sc_gather_body,
        out_type=jax.ShapeDtypeStruct((_P, _NTOK), jnp.float32),
        mesh=plsc.VectorSubcoreMesh(core_axis_name="c", subcore_axis_name="s"),
        scratch_types=[
            pltpu.VMEM((_VOCAB,), jnp.float32),
            pltpu.VMEM((2, _TCH), jnp.int32),
            pltpu.VMEM((2, _TCH), jnp.float32),
            [pltpu.SemaphoreType.DMA, pltpu.SemaphoreType.DMA],
            [pltpu.SemaphoreType.DMA, pltpu.SemaphoreType.DMA],
        ],
        compiler_params=pltpu.CompilerParams(
            use_tc_tiling_on_sc=True, needs_layout_passes=False),
    )


_TM = 1024


def _proj_body(embt_ref, samp_ref, wt_ref, et_ref, b_ref, o_ref):
    mask_t = (samp_ref[...] != 0).astype(jnp.bfloat16)
    m_t = lax.dot_general(
        et_ref[...], mask_t, (((1,), (0,)), ((), ())),
        preferred_element_type=jnp.float32)
    xm = (embt_ref[...] * m_t).astype(jnp.bfloat16)
    acc = lax.dot_general(
        xm, wt_ref[...], (((0,), (0,)), ((), ())),
        preferred_element_type=jnp.float32)
    o_ref[...] = acc + b_ref[...]


def _projection(embt, samp_u, wt_bf, et_bf, b_row):
    return pl.pallas_call(
        _proj_body,
        grid=(_NTOK // _TM,),
        in_specs=[
            pl.BlockSpec((_P, _TM), lambda i: (0, i)),
            pl.BlockSpec((_N_FEATS, _TM), lambda i: (0, i)),
            pl.BlockSpec((_P, _D_MODEL), lambda i: (0, 0)),
            pl.BlockSpec((_P, _N_FEATS), lambda i: (0, 0)),
            pl.BlockSpec((1, _D_MODEL), lambda i: (0, 0)),
        ],
        out_specs=pl.BlockSpec((_TM, _D_MODEL), lambda i: (i, 0)),
        out_shape=jax.ShapeDtypeStruct((_NTOK, _D_MODEL), jnp.float32),
    )(embt, samp_u, wt_bf, et_bf, b_row)


def kernel(sample, tables, W, b):
    t_flat = tables.transpose(0, 2, 1).reshape(_P, _VOCAB)
    samp_f = sample.transpose(2, 1, 0).reshape(_N_FEATS, _NTOK).astype(jnp.int32)

    embt = _sc_gather()(t_flat, samp_f)

    scale = math.sqrt(float(_D_MODEL))
    wt_bf = (W.T * scale).astype(jnp.bfloat16)
    et_bf = (jnp.arange(_P)[:, None] // _D_EMBED
             == jnp.arange(_N_FEATS)[None, :]).astype(jnp.bfloat16)
    b_row = (b * scale).reshape(1, _D_MODEL)

    out = _projection(embt, samp_f, wt_bf, et_bf, b_row)
    return out.reshape(_L, _B, _D_MODEL).transpose(1, 0, 2)

# --- scband reference (transcript-rebuilt; emitter-appended) ---
"""Pipeline reference for scband-rpp-embedding-79396765433888 (READ-ONLY COPY).

The authoritative reference and input builder live on the scoring server;
editing this copy changes nothing except your own understanding.
"""

import jax, jax.numpy as jnp
import numpy as np
import math

N_FEATS = 26
VOCAB = 100000
D_EMBED = 32
D_MODEL = 1024
B, L = 1024, 50

def setup_inputs(seed: int = 0) -> dict:
    key = jax.random.key(seed)
    ks = jax.random.split(key, 4)
    sample = jax.random.randint(ks[0], (B, L, N_FEATS), 0, VOCAB)
    tables = jax.random.normal(ks[1], (N_FEATS, VOCAB, D_EMBED), dtype=jnp.float32) * 0.02
    W = jax.random.normal(ks[2], (D_MODEL, N_FEATS * D_EMBED), dtype=jnp.float32) * 0.02
    b = jax.random.normal(ks[3], (D_MODEL,), dtype=jnp.float32) * 0.02
    return {"sample": sample, "tables": tables, "W": W, "b": b}

def reference(sample, tables, W, b):
    # nn.Embedding with padding_idx=0: output is zero vector where index == 0
    mask = (sample != 0).astype(tables.dtype)
    embeds_list = [jnp.take(tables[i], sample[..., i], axis=0) * mask[..., i][..., None] for i in range(N_FEATS)]
    embeds = jnp.concatenate(embeds_list, axis=-1)  # [B, L, N_FEATS*D_EMBED]
    out = embeds @ W.T + b  # nn.Linear
    out = out * math.sqrt(float(D_MODEL))
    return out

if __name__ == "__main__":
    import jax
    _d = setup_inputs()
    print(jax.jit(kernel)(*tuple(_d.values())))

</pallas_src>

<mosaic_0001>
#map = affine_map<(d0, d1) -> (0, 0)>
module attributes {stable_mosaic.version = 14 : i64} {
  func.func @_sc_gather_body(%arg0: i32, %arg1: i32, %arg2: memref<832x100000xf32, #tpu.memory_space<hbm>>, %arg3: memref<26x51200xi32, #tpu.memory_space<hbm>>, %arg4: memref<832x51200xf32, #tpu.memory_space<hbm>>, %arg5: memref<100000xf32, #tpu.memory_space<vmem>>, %arg6: memref<2x6400xi32, #tpu.memory_space<vmem>>, %arg7: memref<2x6400xf32, #tpu.memory_space<vmem>>, %arg8: memref<!tpu.dma_semaphore, #tpu.memory_space<semaphore_mem>>, %arg9: memref<!tpu.dma_semaphore, #tpu.memory_space<semaphore_mem>>, %arg10: memref<!tpu.dma_semaphore, #tpu.memory_space<semaphore_mem>>, %arg11: memref<!tpu.dma_semaphore, #tpu.memory_space<semaphore_mem>>) attributes {dimension_semantics = [#tpu.dimension_semantics<core_parallel>, #tpu.dimension_semantics<subcore_parallel>], iteration_bounds = array<i64: 2, 16>, scalar_prefetch = 0 : i64, scratch_operands = 7 : i64, tpu.core_type = #tpu.core_type<sc_vector_subcore>, window_params = [{transform_indices = #map}, {transform_indices = #map}, {transform_indices = #map}]} {
    %mul3A = arith.constant 2 : i32
    %mul3A_0 = arith.muli %arg1, %mul3A : i32
    %add3A = arith.addi %mul3A_0, %arg0 : i32
    %mul3A_1 = arith.constant 26 : i32
    %mul3A_2 = arith.muli %add3A, %mul3A_1 : i32
    %scan3A = arith.constant 0 : i32
    %scan3A_3 = arith.constant 26 : i32
    %scan3A_4 = arith.addi %scan3A, %scan3A_3 : i32
    %scan3A_5 = arith.constant 1 : i32
    scf.for %scan3A_34 = %scan3A to %scan3A_4 step %scan3A_5  : i32 {
      %add3A_35 = arith.addi %mul3A_2, %scan3A_34 : i32
      %jit3A = arith.constant 32 : i32
      %div3A = arith.divsi %add3A_35, %jit3A : i32
      %sign3A = arith.constant 0 : i32
      %sign3A_36 = arith.cmpi sgt, %add3A_35, %sign3A : i32
      %sign3A_37 = arith.extui %sign3A_36 : i1 to i32
      %sign3A_38 = arith.constant 0 : i32
      %sign3A_39 = arith.cmpi slt, %add3A_35, %sign3A_38 : i32
      %sign3A_40 = arith.extui %sign3A_39 : i1 to i32
      %sign3A_41 = arith.subi %sign3A_37, %sign3A_40 : i32
      %sign3A_42 = arith.constant 0 : i32
      %sign3A_43 = arith.cmpi sgt, %jit3A, %sign3A_42 : i32
      %sign3A_44 = arith.extui %sign3A_43 : i1 to i32
      %sign3A_45 = arith.constant 0 : i32
      %sign3A_46 = arith.cmpi slt, %jit3A, %sign3A_45 : i32
      %sign3A_47 = arith.extui %sign3A_46 : i1 to i32
      %sign3A_48 = arith.subi %sign3A_44, %sign3A_47 : i32
      %ne3A = arith.cmpi ne, %sign3A_41, %sign3A_48 : i32
      %rem3A = arith.remsi %add3A_35, %jit3A : i32
      %ne3A_49 = arith.constant 0 : i32
      %ne3A_50 = arith.cmpi ne, %rem3A, %ne3A_49 : i32
      %and3A = arith.andi %ne3A, %ne3A_50 : i1
      %sub3A = arith.constant 1 : i32
      %sub3A_51 = arith.subi %div3A, %sub3A : i32
      %select_n3A = arith.select %and3A, %sub3A_51, %div3A : i32
      %dma_start3A = arith.constant 0 : i32
      %dma_start3A_52 = arith.constant 0 : i32
      %dma_start3A_53 = tpu.memref_slice %arg6[%dma_start3A, %dma_start3A_52] : memref<2x6400xi32, #tpu.memory_space<vmem>> -> memref<1x6400xi32, #tpu.memory_space<vmem>>
      %dma_start3A_54 = tpu.memref_squeeze %dma_start3A_53 : memref<1x6400xi32, #tpu.memory_space<vmem>> -> memref<6400xi32, #tpu.memory_space<vmem>>
      %dma_start3A_55 = arith.constant 0 : i32
      %dma_start3A_56 = tpu.memref_slice %arg3[%select_n3A, %dma_start3A_55] : memref<26x51200xi32, #tpu.memory_space<hbm>> -> memref<1x6400xi32, #tpu.memory_space<hbm>>
      %dma_start3A_57 = tpu.memref_squeeze %dma_start3A_56 : memref<1x6400xi32, #tpu.memory_space<hbm>> -> memref<6400xi32, #tpu.memory_space<hbm>>
      %dma_start3A_58 = arith.constant 0 : i32
      %dma_start3A_59 = tpu.memref_slice %arg6[%dma_start3A, %dma_start3A_58] : memref<2x6400xi32, #tpu.memory_space<vmem>> -> memref<1x6400xi32, #tpu.memory_space<vmem>>
      %dma_start3A_60 = tpu.memref_squeeze %dma_start3A_59 : memref<1x6400xi32, #tpu.memory_space<vmem>> -> memref<6400xi32, #tpu.memory_space<vmem>>
      %dma_start3A_61 = arith.constant 0 : i32
      %dma_start3A_62 = tpu.memref_slice %arg3[%select_n3A, %dma_start3A_61] : memref<26x51200xi32, #tpu.memory_space<hbm>> -> memref<1x6400xi32, #tpu.memory_space<hbm>>
      %dma_start3A_63 = tpu.memref_squeeze %dma_start3A_62 : memref<1x6400xi32, #tpu.memory_space<hbm>> -> memref<6400xi32, #tpu.memory_space<hbm>>
      tpu.enqueue_dma source(%dma_start3A_63 : memref<6400xi32, #tpu.memory_space<hbm>>) target(%dma_start3A_60 : memref<6400xi32, #tpu.memory_space<vmem>>) target_semaphore(%arg8 : memref<!tpu.dma_semaphore, #tpu.memory_space<semaphore_mem>>)
      "tpu.region"() ({
        %run_scoped3A = tpu.sem_alloc : memref<!tpu.dma_semaphore, #tpu.memory_space<semaphore_mem>>
        %dma_start3A_466 = arith.constant 0 : i32
        %dma_start3A_467 = tpu.memref_slice %arg2[%add3A_35, %dma_start3A_466] : memref<832x100000xf32, #tpu.memory_space<hbm>> -> memref<1x100000xf32, #tpu.memory_space<hbm>>
        %dma_start3A_468 = tpu.memref_squeeze %dma_start3A_467 : memref<1x100000xf32, #tpu.memory_space<hbm>> -> memref<100000xf32, #tpu.memory_space<hbm>>
        %dma_start3A_469 = arith.constant 0 : i32
        %dma_start3A_470 = tpu.memref_slice %arg2[%add3A_35, %dma_start3A_469] : memref<832x100000xf32, #tpu.memory_space<hbm>> -> memref<1x100000xf32, #tpu.memory_space<hbm>>
        %dma_start3A_471 = tpu.memref_squeeze %dma_start3A_470 : memref<1x100000xf32, #tpu.memory_space<hbm>> -> memref<100000xf32, #tpu.memory_space<hbm>>
        tpu.enqueue_dma source(%dma_start3A_471 : memref<100000xf32, #tpu.memory_space<hbm>>) target(%arg5 : memref<100000xf32, #tpu.memory_space<vmem>>) target_semaphore(%run_scoped3A : memref<!tpu.dma_semaphore, #tpu.memory_space<semaphore_mem>>)
        %dma_wait3A_472 = arith.constant 0 : i32
        %dma_wait3A_473 = tpu.memref_slice %arg2[%add3A_35, %dma_wait3A_472] : memref<832x100000xf32, #tpu.memory_space<hbm>> -> memref<1x100000xf32, #tpu.memory_space<hbm>>
        %dma_wait3A_474 = tpu.memref_squeeze %dma_wait3A_473 : memref<1x100000xf32, #tpu.memory_space<hbm>> -> memref<100000xf32, #tpu.memory_space<hbm>>
        %dma_wait3A_475 = arith.constant 0 : i32
        %dma_wait3A_476 = tpu.memref_slice %arg2[%add3A_35, %dma_wait3A_475] : memref<832x100000xf32, #tpu.memory_space<hbm>> -> memref<1x100000xf32, #tpu.memory_space<hbm>>
        %dma_wait3A_477 = tpu.memref_squeeze %dma_wait3A_476 : memref<1x100000xf32, #tpu.memory_space<hbm>> -> memref<100000xf32, #tpu.memory_space<hbm>>
        tpu.wait_dma2 semaphore(%run_scoped3A : memref<!tpu.dma_semaphore, #tpu.memory_space<semaphore_mem>>) src(%dma_wait3A_477 : memref<100000xf32, #tpu.memory_space<hbm>>) dst(%arg5 : memref<100000xf32, #tpu.memory_space<vmem>>)
        tpu.yield
      }) : () -> ()
      %gt3A = arith.constant 0 : i32
      %gt3A_64 = arith.cmpi sgt, %scan3A_34, %gt3A : i32
      %convert_element_type3A = arith.extui %gt3A_64 : i1 to i32
      %cond3A = arith.constant 0 : i32
      %cond3A_65 = arith.cmpi ne, %convert_element_type3A, %cond3A : i32
      scf.if %cond3A_65 {
        %dma_wait3A_466 = arith.constant 0 : i32
        %dma_wait3A_467 = arith.constant 0 : i32
        %dma_wait3A_468 = tpu.memref_slice %arg7[%dma_wait3A_466, %dma_wait3A_467] : memref<2x6400xf32, #tpu.memory_space<vmem>> -> memref<1x6400xf32, #tpu.memory_space<vmem>>
        %dma_wait3A_469 = tpu.memref_squeeze %dma_wait3A_468 : memref<1x6400xf32, #tpu.memory_space<vmem>> -> memref<6400xf32, #tpu.memory_space<vmem>>
        %dma_wait3A_470 = arith.constant 0 : i32
        %dma_wait3A_471 = tpu.memref_slice %arg4[%add3A_35, %dma_wait3A_470] : memref<832x51200xf32, #tpu.memory_space<hbm>> -> memref<1x6400xf32, #tpu.memory_space<hbm>>
        %dma_wait3A_472 = tpu.memref_squeeze %dma_wait3A_471 : memref<1x6400xf32, #tpu.memory_space<hbm>> -> memref<6400xf32, #tpu.memory_space<hbm>>
        %dma_wait3A_473 = arith.constant 0 : i32
        %dma_wait3A_474 = tpu.memref_slice %arg4[%add3A_35, %dma_wait3A_473] : memref<832x51200xf32, #tpu.memory_space<hbm>> -> memref<1x6400xf32, #tpu.memory_space<hbm>>
        %dma_wait3A_475 = tpu.memref_squeeze %dma_wait3A_474 : memref<1x6400xf32, #tpu.memory_space<hbm>> -> memref<6400xf32, #tpu.memory_space<hbm>>
        %dma_wait3A_476 = arith.constant 0 : i32
        %dma_wait3A_477 = tpu.memref_slice %arg7[%dma_wait3A_466, %dma_wait3A_476] : memref<2x6400xf32, #tpu.memory_space<vmem>> -> memref<1x6400xf32, #tpu.memory_space<vmem>>
        %dma_wait3A_478 = tpu.memref_squeeze %dma_wait3A_477 : memref<1x6400xf32, #tpu.memory_space<vmem>> -> memref<6400xf32, #tpu.memory_space<vmem>>
        tpu.wait_dma2 semaphore(%arg10 : memref<!tpu.dma_semaphore, #tpu.memory_space<semaphore_mem>>) src(%dma_wait3A_478 : memref<6400xf32, #tpu.memory_space<vmem>>) dst(%dma_wait3A_475 : memref<6400xf32, #tpu.memory_space<hbm>>)
        %dma_wait3A_479 = arith.constant 1 : i32
        %dma_wait3A_480 = arith.constant 0 : i32
        %dma_wait3A_481 = tpu.memref_slice %arg7[%dma_wait3A_479, %dma_wait3A_480] : memref<2x6400xf32, #tpu.memory_space<vmem>> -> memref<1x6400xf32, #tpu.memory_space<vmem>>
        %dma_wait3A_482 = tpu.memref_squeeze %dma_wait3A_481 : memref<1x6400xf32, #tpu.memory_space<vmem>> -> memref<6400xf32, #tpu.memory_space<vmem>>
        %dma_wait3A_483 = arith.constant 0 : i32
        %dma_wait3A_484 = tpu.memref_slice %arg4[%add3A_35, %dma_wait3A_483] : memref<832x51200xf32, #tpu.memory_space<hbm>> -> memref<1x6400xf32, #tpu.memory_space<hbm>>
        %dma_wait3A_485 = tpu.memref_squeeze %dma_wait3A_484 : memref<1x6400xf32, #tpu.memory_space<hbm>> -> memref<6400xf32, #tpu.memory_space<hbm>>
        %dma_wait3A_486 = arith.constant 0 : i32
        %dma_wait3A_487 = tpu.memref_slice %arg4[%add3A_35, %dma_wait3A_486] : memref<832x51200xf32, #tpu.memory_space<hbm>> -> memref<1x6400xf32, #tpu.memory_space<hbm>>
        %dma_wait3A_488 = tpu.memref_squeeze %dma_wait3A_487 : memref<1x6400xf32, #tpu.memory_space<hbm>> -> memref<6400xf32, #tpu.memory_space<hbm>>
        %dma_wait3A_489 = arith.constant 0 : i32
        %dma_wait3A_490 = tpu.memref_slice %arg7[%dma_wait3A_479, %dma_wait3A_489] : memref<2x6400xf32, #tpu.memory_space<vmem>> -> memref<1x6400xf32, #tpu.memory_space<vmem>>
        %dma_wait3A_491 = tpu.memref_squeeze %dma_wait3A_490 : memref<1x6400xf32, #tpu.memory_space<vmem>> -> memref<6400xf32, #tpu.memory_space<vmem>>
        tpu.wait_dma2 semaphore(%arg11 : memref<!tpu.dma_semaphore, #tpu.memory_space<semaphore_mem>>) src(%dma_wait3A_491 : memref<6400xf32, #tpu.memory_space<vmem>>) dst(%dma_wait3A_488 : memref<6400xf32, #tpu.memory_space<hbm>>)
      } else {
      }
      %dma_start3A_66 = arith.constant 1 : i32
      %dma_start3A_67 = arith.constant 0 : i32
      %dma_start3A_68 = tpu.memref_slice %arg6[%dma_start3A_66, %dma_start3A_67] : memref<2x6400xi32, #tpu.memory_space<vmem>> -> memref<1x6400xi32, #tpu.memory_space<vmem>>
      %dma_start3A_69 = tpu.memref_squeeze %dma_start3A_68 : memref<1x6400xi32, #tpu.memory_space<vmem>> -> memref<6400xi32, #tpu.memory_space<vmem>>
      %dma_start3A_70 = arith.constant 6400 : i32
      %dma_start3A_71 = tpu.memref_slice %arg3[%select_n3A, %dma_start3A_70] : memref<26x51200xi32, #tpu.memory_space<hbm>> -> memref<1x6400xi32, #tpu.memory_space<hbm>>
      %dma_start3A_72 = tpu.memref_squeeze %dma_start3A_71 : memref<1x6400xi32, #tpu.memory_space<hbm>> -> memref<6400xi32, #tpu.memory_space<hbm>>
      %dma_start3A_73 = arith.constant 0 : i32
      %dma_start3A_74 = tpu.memref_slice %arg6[%dma_start3A_66, %dma_start3A_73] : memref<2x6400xi32, #tpu.memory_space<vmem>> -> memref<1x6400xi32, #tpu.memory_space<vmem>>
      %dma_start3A_75 = tpu.memref_squeeze %dma_start3A_74 : memref<1x6400xi32, #tpu.memory_space<vmem>> -> memref<6400xi32, #tpu.memory_space<vmem>>
      %dma_start3A_76 = arith.constant 6400 : i32
      %dma_start3A_77 = tpu.memref_slice %arg3[%select_n3A, %dma_start3A_76] : memref<26x51200xi32, #tpu.memory_space<hbm>> -> memref<1x6400xi32, #tpu.memory_space<hbm>>
      %dma_start3A_78 = tpu.memref_squeeze %dma_start3A_77 : memref<1x6400xi32, #tpu.memory_space<hbm>> -> memref<6400xi32, #tpu.memory_space<hbm>>
      tpu.enqueue_dma source(%dma_start3A_78 : memref<6400xi32, #tpu.memory_space<hbm>>) target(%dma_start3A_75 : memref<6400xi32, #tpu.memory_space<vmem>>) target_semaphore(%arg9 : memref<!tpu.dma_semaphore, #tpu.memory_space<semaphore_mem>>)
      %dma_wait3A_79 = arith.constant 0 : i32
      %dma_wait3A_80 = arith.constant 0 : i32
      %dma_wait3A_81 = tpu.memref_slice %arg6[%dma_wait3A_79, %dma_wait3A_80] : memref<2x6400xi32, #tpu.memory_space<vmem>> -> memref<1x6400xi32, #tpu.memory_space<vmem>>
      %dma_wait3A_82 = tpu.memref_squeeze %dma_wait3A_81 : memref<1x6400xi32, #tpu.memory_space<vmem>> -> memref<6400xi32, #tpu.memory_space<vmem>>
      %dma_wait3A_83 = arith.constant 0 : i32
      %dma_wait3A_84 = tpu.memref_slice %arg3[%select_n3A, %dma_wait3A_83] : memref<26x51200xi32, #tpu.memory_space<hbm>> -> memref<1x6400xi32, #tpu.memory_space<hbm>>
      %dma_wait3A_85 = tpu.memref_squeeze %dma_wait3A_84 : memref<1x6400xi32, #tpu.memory_space<hbm>> -> memref<6400xi32, #tpu.memory_space<hbm>>
      %dma_wait3A_86 = arith.constant 0 : i32
      %dma_wait3A_87 = tpu.memref_slice %arg6[%dma_wait3A_79, %dma_wait3A_86] : memref<2x6400xi32, #tpu.memory_space<vmem>> -> memref<1x6400xi32, #tpu.memory_space<vmem>>
      %dma_wait3A_88 = tpu.memref_squeeze %dma_wait3A_87 : memref<1x6400xi32, #tpu.memory_space<vmem>> -> memref<6400xi32, #tpu.memory_space<vmem>>
      %dma_wait3A_89 = arith.constant 0 : i32
      %dma_wait3A_90 = tpu.memref_slice %arg3[%select_n3A, %dma_wait3A_89] : memref<26x51200xi32, #tpu.memory_space<hbm>> -> memref<1x6400xi32, #tpu.memory_space<hbm>>
      %dma_wait3A_91 = tpu.memref_squeeze %dma_wait3A_90 : memref<1x6400xi32, #tpu.memory_space<hbm>> -> memref<6400xi32, #tpu.memory_space<hbm>>
      tpu.wait_dma2 semaphore(%arg8 : memref<!tpu.dma_semaphore, #tpu.memory_space<semaphore_mem>>) src(%dma_wait3A_91 : memref<6400xi32, #tpu.memory_space<hbm>>) dst(%dma_wait3A_88 : memref<6400xi32, #tpu.memory_space<vmem>>)
      %parallel_loop3A = arith.constant 0 : i32
      %parallel_loop3A_92 = arith.constant 6400 : i32
      %parallel_loop3A_93 = arith.constant 16 : i32
      scf.for %parallel_loop3A_466 = %parallel_loop3A to %parallel_loop3A_92 step %parallel_loop3A_93  : i32 {
        %parallel_loop3A_467 = arith.constant 0 : i32
        %parallel_loop3A_468 = arith.index_cast %parallel_loop3A_467 : i32 to index
        %parallel_loop3A_469 = arith.index_cast %parallel_loop3A_466 : i32 to index
        %parallel_loop3A_470 = tpu.vector_load %arg6[%parallel_loop3A_468, %parallel_loop3A_469] {strides = array<i32>} : memref<2x6400xi32, #tpu.memory_space<vmem>>, vector<16xi32>,
        %parallel_loop3A_471 = tpu.vector_load_idx %arg5[%parallel_loop3A_470] : memref<100000xf32, #tpu.memory_space<vmem>>[vector<16xi32>], vector<16xf32>,
        %parallel_loop3A_472 = arith.constant 0 : i32
        %parallel_loop3A_473 = arith.index_cast %parallel_loop3A_472 : i32 to index
        %parallel_loop3A_474 = arith.index_cast %parallel_loop3A_466 : i32 to index
        %parallel_loop3A_475 = tpu.vector_load %arg7[%parallel_loop3A_473, %parallel_loop3A_474] {strides = array<i32>} : memref<2x6400xf32, #tpu.memory_space<vmem>>, vector<16xf32>,
        tpu.vector_store %arg7[%parallel_loop3A_473, %parallel_loop3A_474], %parallel_loop3A_471 {strides = array<i32>} : memref<2x6400xf32, #tpu.memory_space<vmem>>, vector<16xf32>,
      } {sc.loop_unroll_factor = 16 : i64, sc.parallel_access}
      %dma_start3A_94 = arith.constant 0 : i32
      %dma_start3A_95 = arith.constant 0 : i32
      %dma_start3A_96 = tpu.memref_slice %arg7[%dma_start3A_94, %dma_start3A_95] : memref<2x6400xf32, #tpu.memory_space<vmem>> -> memref<1x6400xf32, #tpu.memory_space<vmem>>
      %dma_start3A_97 = tpu.memref_squeeze %dma_start3A_96 : memref<1x6400xf32, #tpu.memory_space<vmem>> -> memref<6400xf32, #tpu.memory_space<vmem>>
      %dma_start3A_98 = arith.constant 0 : i32
      %dma_start3A_99 = tpu.memref_slice %arg4[%add3A_35, %dma_start3A_98] : memref<832x51200xf32, #tpu.memory_space<hbm>> -> memref<1x6400xf32, #tpu.memory_space<hbm>>
      %dma_start3A_100 = tpu.memref_squeeze %dma_start3A_99 : memref<1x6400xf32, #tpu.memory_space<hbm>> -> memref<6400xf32, #tpu.memory_space<hbm>>
      %dma_start3A_101 = arith.constant 0 : i32
      %dma_start3A_102 = tpu.memref_slice %arg4[%add3A_35, %dma_start3A_101] : memref<832x51200xf32, #tpu.memory_space<hbm>> -> memref<1x6400xf32, #tpu.memory_space<hbm>>
      %dma_start3A_103 = tpu.memref_squeeze %dma_start3A_102 : memref<1x6400xf32, #tpu.memory_space<hbm>> -> memref<6400xf32, #tpu.memory_space<hbm>>
      %dma_start3A_104 = arith.constant 0 : i32
      %dma_start3A_105 = tpu.memref_slice %arg7[%dma_start3A_94, %dma_start3A_104] : memref<2x6400xf32, #tpu.memory_space<vmem>> -> memref<1x6400xf32, #tpu.memory_space<vmem>>
      %dma_start3A_106 = tpu.memref_squeeze %dma_start3A_105 : memref<1x6400xf32, #tpu.memory_space<vmem>> -> memref<6400xf32, #tpu.memory_space<vmem>>
      tpu.enqueue_dma source(%dma_start3A_106 : memref<6400xf32, #tpu.memory_space<vmem>>) target(%dma_start3A_103 : memref<6400xf32, #tpu.memory_space<hbm>>) target_semaphore(%arg10 : memref<!tpu.dma_semaphore, #tpu.memory_space<semaphore_mem>>)
      %dma_start3A_107 = arith.constant 0 : i32
      %dma_start3A_108 = arith.constant 0 : i32
      %dma_start3A_109 = tpu.memref_slice %arg6[%dma_start3A_107, %dma_start3A_108] : memref<2x6400xi32, #tpu.memory_space<vmem>> -> memref<1x6400xi32, #tpu.memory_space<vmem>>
      %dma_start3A_110 = tpu.memref_squeeze %dma_start3A_109 : memref<1x6400xi32, #tpu.memory_space<vmem>> -> memref<6400xi32, #tpu.memory_space<vmem>>
      %dma_start3A_111 = arith.constant 12800 : i32
      %dma_start3A_112 = tpu.memref_slice %arg3[%select_n3A, %dma_start3A_111] : memref<26x51200xi32, #tpu.memory_space<hbm>> -> memref<1x6400xi32, #tpu.memory_space<hbm>>
      %dma_start3A_113 = tpu.memref_squeeze %dma_start3A_112 : memref<1x6400xi32, #tpu.memory_space<hbm>> -> memref<6400xi32, #tpu.memory_space<hbm>>
      %dma_start3A_114 = arith.constant 0 : i32
      %dma_start3A_115 = tpu.memref_slice %arg6[%dma_start3A_107, %dma_start3A_114] : memref<2x6400xi32, #tpu.memory_space<vmem>> -> memref<1x6400xi32, #tpu.memory_space<vmem>>
      %dma_start3A_116 = tpu.memref_squeeze %dma_start3A_115 : memref<1x6400xi32, #tpu.memory_space<vmem>> -> memref<6400xi32, #tpu.memory_space<vmem>>
      %dma_start3A_117 = arith.constant 12800 : i32
      %dma_start3A_118 = tpu.memref_slice %arg3[%select_n3A, %dma_start3A_117] : memref<26x51200xi32, #tpu.memory_space<hbm>> -> memref<1x6400xi32, #tpu.memory_space<hbm>>
      %dma_start3A_119 = tpu.memref_squeeze %dma_start3A_118 : memref<1x6400xi32, #tpu.memory_space<hbm>> -> memref<6400xi32, #tpu.memory_space<hbm>>
      tpu.enqueue_dma source(%dma_start3A_119 : memref<6400xi32, #tpu.memory_space<hbm>>) target(%dma_start3A_116 : memref<6400xi32, #tpu.memory_space<vmem>>) target_semaphore(%arg8 : memref<!tpu.dma_semaphore, #tpu.memory_space<semaphore_mem>>)
      %dma_wait3A_120 = arith.constant 1 : i32
      %dma_wait3A_121 = arith.constant 0 : i32
      %dma_wait3A_122 = tpu.memref_slice %arg6[%dma_wait3A_120, %dma_wait3A_121] : memref<2x6400xi32, #tpu.memory_space<vmem>> -> memref<1x6400xi32, #tpu.memory_space<vmem>>
      %dma_wait3A_123 = tpu.memref_squeeze %dma_wait3A_122 : memref<1x6400xi32, #tpu.memory_space<vmem>> -> memref<6400xi32, #tpu.memory_space<vmem>>
      %dma_wait3A_124 = arith.constant 6400 : i32
      %dma_wait3A_125 = tpu.memref_slice %arg3[%select_n3A, %dma_wait3A_124] : memref<26x51200xi32, #tpu.memory_space<hbm>> -> memref<1x6400xi32, #tpu.memory_space<hbm>>
      %dma_wait3A_126 = tpu.memref_squeeze %dma_wait3A_125 : memref<1x6400xi32, #tpu.memory_space<hbm>> -> memref<6400xi32, #tpu.memory_space<hbm>>
      %dma_wait3A_127 = arith.constant 0 : i32
      %dma_wait3A_128 = tpu.memref_slice %arg6[%dma_wait3A_120, %dma_wait3A_127] : memref<2x6400xi32, #tpu.memory_space<vmem>> -> memref<1x6400xi32, #tpu.memory_space<vmem>>
      %dma_wait3A_129 = tpu.memref_squeeze %dma_wait3A_128 : memref<1x6400xi32, #tpu.memory_space<vmem>> -> memref<6400xi32, #tpu.memory_space<vmem>>
      %dma_wait3A_130 = arith.constant 6400 : i32
      %dma_wait3A_131 = tpu.memref_slice %arg3[%select_n3A, %dma_wait3A_130] : memref<26x51200xi32, #tpu.memory_space<hbm>> -> memref<1x6400xi32, #tpu.memory_space<hbm>>
      %dma_wait3A_132 = tpu.memref_squeeze %dma_wait3A_131 : memref<1x6400xi32, #tpu.memory_space<hbm>> -> memref<6400xi32, #tpu.memory_space<hbm>>
      tpu.wait_dma2 semaphore(%arg9 : memref<!tpu.dma_semaphore, #tpu.memory_space<semaphore_mem>>) src(%dma_wait3A_132 : memref<6400xi32, #tpu.memory_space<hbm>>) dst(%dma_wait3A_129 : memref<6400xi32, #tpu.memory_space<vmem>>)
      %parallel_loop3A_133 = arith.constant 0 : i32
      %parallel_loop3A_134 = arith.constant 6400 : i32
      %parallel_loop3A_135 = arith.constant 16 : i32
      scf.for %parallel_loop3A_466 = %parallel_loop3A_133 to %parallel_loop3A_134 step %parallel_loop3A_135  : i32 {
        %parallel_loop3A_467 = arith.constant 1 : i32
        %parallel_loop3A_468 = arith.index_cast %parallel_loop3A_467 : i32 to index
        %parallel_loop3A_469 = arith.index_cast %parallel_loop3A_466 : i32 to index
        %parallel_loop3A_470 = tpu.vector_load %arg6[%parallel_loop3A_468, %parallel_loop3A_469] {strides = array<i32>} : memref<2x6400xi32, #tpu.memory_space<vmem>>, vector<16xi32>,
        %parallel_loop3A_471 = tpu.vector_load_idx %arg5[%parallel_loop3A_470] : memref<100000xf32, #tpu.memory_space<vmem>>[vector<16xi32>], vector<16xf32>,
        %parallel_loop3A_472 = arith.constant 1 : i32
        %parallel_loop3A_473 = arith.index_cast %parallel_loop3A_472 : i32 to index
        %parallel_loop3A_474 = arith.index_cast %parallel_loop3A_466 : i32 to index
        %parallel_loop3A_475 = tpu.vector_load %arg7[%parallel_loop3A_473, %parallel_loop3A_474] {strides = array<i32>} : memref<2x6400xf32, #tpu.memory_space<vmem>>, vector<16xf32>,
        tpu.vector_store %arg7[%parallel_loop3A_473, %parallel_loop3A_474], %parallel_loop3A_471 {strides = array<i32>} : memref<2x6400xf32, #tpu.memory_space<vmem>>, vector<16xf32>,
      } {sc.loop_unroll_factor = 16 : i64, sc.parallel_access}
      %dma_start3A_136 = arith.constant 1 : i32
      %dma_start3A_137 = arith.constant 0 : i32
      %dma_start3A_138 = tpu.memref_slice %arg7[%dma_start3A_136, %dma_start3A_137] : memref<2x6400xf32, #tpu.memory_space<vmem>> -> memref<1x6400xf32, #tpu.memory_space<vmem>>
      %dma_start3A_139 = tpu.memref_squeeze %dma_start3A_138 : memref<1x6400xf32, #tpu.memory_space<vmem>> -> memref<6400xf32, #tpu.memory_space<vmem>>
      %dma_start3A_140 = arith.constant 6400 : i32
      %dma_start3A_141 = tpu.memref_slice %arg4[%add3A_35, %dma_start3A_140] : memref<832x51200xf32, #tpu.memory_space<hbm>> -> memref<1x6400xf32, #tpu.memory_space<hbm>>
      %dma_start3A_142 = tpu.memref_squeeze %dma_start3A_141 : memref<1x6400xf32, #tpu.memory_space<hbm>> -> memref<6400xf32, #tpu.memory_space<hbm>>
      %dma_start3A_143 = arith.constant 6400 : i32
      %dma_start3A_144 = tpu.memref_slice %arg4[%add3A_35, %dma_start3A_143] : memref<832x51200xf32, #tpu.memory_space<hbm>> -> memref<1x6400xf32, #tpu.memory_space<hbm>>
      %dma_start3A_145 = tpu.memref_squeeze %dma_start3A_144 : memref<1x6400xf32, #tpu.memory_space<hbm>> -> memref<6400xf32, #tpu.memory_space<hbm>>
      %dma_start3A_146 = arith.constant 0 : i32
      %dma_start3A_147 = tpu.memref_slice %arg7[%dma_start3A_136, %dma_start3A_146] : memref<2x6400xf32, #tpu.memory_space<vmem>> -> memref<1x6400xf32, #tpu.memory_space<vmem>>
      %dma_start3A_148 = tpu.memref_squeeze %dma_start3A_147 : memref<1x6400xf32, #tpu.memory_space<vmem>> -> memref<6400xf32, #tpu.memory_space<vmem>>
      tpu.enqueue_dma source(%dma_start3A_148 : memref<6400xf32, #tpu.memory_space<vmem>>) target(%dma_start3A_145 : memref<6400xf32, #tpu.memory_space<hbm>>) target_semaphore(%arg11 : memref<!tpu.dma_semaphore, #tpu.memory_space<semaphore_mem>>)
      %dma_start3A_149 = arith.constant 1 : i32
      %dma_start3A_150 = arith.constant 0 : i32
      %dma_start3A_151 = tpu.memref_slice %arg6[%dma_start3A_149, %dma_start3A_150] : memref<2x6400xi32, #tpu.memory_space<vmem>> -> memref<1x6400xi32, #tpu.memory_space<vmem>>
      %dma_start3A_152 = tpu.memref_squeeze %dma_start3A_151 : memref<1x6400xi32, #tpu.memory_space<vmem>> -> memref<6400xi32, #tpu.memory_space<vmem>>
      %dma_start3A_153 = arith.constant 19200 : i32
      %dma_start3A_154 = tpu.memref_slice %arg3[%select_n3A, %dma_start3A_153] : memref<26x51200xi32, #tpu.memory_space<hbm>> -> memref<1x6400xi32, #tpu.memory_space<hbm>>
      %dma_start3A_155 = tpu.memref_squeeze %dma_start3A_154 : memref<1x6400xi32, #tpu.memory_space<hbm>> -> memref<6400xi32, #tpu.memory_space<hbm>>
      %dma_start3A_156 = arith.constant 0 : i32
      %dma_start3A_157 = tpu.memref_slice %arg6[%dma_start3A_149, %dma_start3A_156] : memref<2x6400xi32, #tpu.memory_space<vmem>> -> memref<1x6400xi32, #tpu.memory_space<vmem>>
      %dma_start3A_158 = tpu.memref_squeeze %dma_start3A_157 : memref<1x6400xi32, #tpu.memory_space<vmem>> -> memref<6400xi32, #tpu.memory_space<vmem>>
      %dma_start3A_159 = arith.constant 19200 : i32
      %dma_start3A_160 = tpu.memref_slice %arg3[%select_n3A, %dma_start3A_159] : memref<26x51200xi32, #tpu.memory_space<hbm>> -> memref<1x6400xi32, #tpu.memory_space<hbm>>
      %dma_start3A_161 = tpu.memref_squeeze %dma_start3A_160 : memref<1x6400xi32, #tpu.memory_space<hbm>> -> memref<6400xi32, #tpu.memory_space<hbm>>
      tpu.enqueue_dma source(%dma_start3A_161 : memref<6400xi32, #tpu.memory_space<hbm>>) target(%dma_start3A_158 : memref<6400xi32, #tpu.memory_space<vmem>>) target_semaphore(%arg9 : memref<!tpu.dma_semaphore, #tpu.memory_space<semaphore_mem>>)
      %dma_wait3A_162 = arith.constant 0 : i32
      %dma_wait3A_163 = arith.constant 0 : i32
      %dma_wait3A_164 = tpu.memref_slice %arg6[%dma_wait3A_162, %dma_wait3A_163] : memref<2x6400xi32, #tpu.memory_space<vmem>> -> memref<1x6400xi32, #tpu.memory_space<vmem>>
      %dma_wait3A_165 = tpu.memref_squeeze %dma_wait3A_164 : memref<1x6400xi32, #tpu.memory_space<vmem>> -> memref<6400xi32, #tpu.memory_space<vmem>>
      %dma_wait3A_166 = arith.constant 12800 : i32
      %dma_wait3A_167 = tpu.memref_slice %arg3[%select_n3A, %dma_wait3A_166] : memref<26x51200xi32, #tpu.memory_space<hbm>> -> memref<1x6400xi32, #tpu.memory_space<hbm>>
      %dma_wait3A_168 = tpu.memref_squeeze %dma_wait3A_167 : memref<1x6400xi32, #tpu.memory_space<hbm>> -> memref<6400xi32, #tpu.memory_space<hbm>>
      %dma_wait3A_169 = arith.constant 0 : i32
      %dma_wait3A_170 = tpu.memref_slice %arg6[%dma_wait3A_162, %dma_wait3A_169] : memref<2x6400xi32, #tpu.memory_space<vmem>> -> memref<1x6400xi32, #tpu.memory_space<vmem>>
      %dma_wait3A_171 = tpu.memref_squeeze %dma_wait3A_170 : memref<1x6400xi32, #tpu.memory_space<vmem>> -> memref<6400xi32, #tpu.memory_space<vmem>>
      %dma_wait3A_172 = arith.constant 12800 : i32
      %dma_wait3A_173 = tpu.memref_slice %arg3[%select_n3A, %dma_wait3A_172] : memref<26x51200xi32, #tpu.memory_space<hbm>> -> memref<1x6400xi32, #tpu.memory_space<hbm>>
      %dma_wait3A_174 = tpu.memref_squeeze %dma_wait3A_173 : memref<1x6400xi32, #tpu.memory_space<hbm>> -> memref<6400xi32, #tpu.memory_space<hbm>>
      tpu.wait_dma2 semaphore(%arg8 : memref<!tpu.dma_semaphore, #tpu.memory_space<semaphore_mem>>) src(%dma_wait3A_174 : memref<6400xi32, #tpu.memory_space<hbm>>) dst(%dma_wait3A_171 : memref<6400xi32, #tpu.memory_space<vmem>>)
      %dma_wait3A_175 = arith.constant 0 : i32
      %dma_wait3A_176 = arith.constant 0 : i32
      %dma_wait3A_177 = tpu.memref_slice %arg7[%dma_wait3A_175, %dma_wait3A_176] : memref<2x6400xf32, #tpu.memory_space<vmem>> -> memref<1x6400xf32, #tpu.memory_space<vmem>>
      %dma_wait3A_178 = tpu.memref_squeeze %dma_wait3A_177 : memref<1x6400xf32, #tpu.memory_space<vmem>> -> memref<6400xf32, #tpu.memory_space<vmem>>
      %dma_wait3A_179 = arith.constant 0 : i32
      %dma_wait3A_180 = tpu.memref_slice %arg4[%add3A_35, %dma_wait3A_179] : memref<832x51200xf32, #tpu.memory_space<hbm>> -> memref<1x6400xf32, #tpu.memory_space<hbm>>
      %dma_wait3A_181 = tpu.memref_squeeze %dma_wait3A_180 : memref<1x6400xf32, #tpu.memory_space<hbm>> -> memref<6400xf32, #tpu.memory_space<hbm>>
      %dma_wait3A_182 = arith.constant 0 : i32
      %dma_wait3A_183 = tpu.memref_slice %arg4[%add3A_35, %dma_wait3A_182] : memref<832x51200xf32, #tpu.memory_space<hbm>> -> memref<1x6400xf32, #tpu.memory_space<hbm>>
      %dma_wait3A_184 = tpu.memref_squeeze %dma_wait3A_183 : memref<1x6400xf32, #tpu.memory_space<hbm>> -> memref<6400xf32, #tpu.memory_space<hbm>>
      %dma_wait3A_185 = arith.constant 0 : i32
      %dma_wait3A_186 = tpu.memref_slice %arg7[%dma_wait3A_175, %dma_wait3A_185] : memref<2x6400xf32, #tpu.memory_space<vmem>> -> memref<1x6400xf32, #tpu.memory_space<vmem>>
      %dma_wait3A_187 = tpu.memref_squeeze %dma_wait3A_186 : memref<1x6400xf32, #tpu.memory_space<vmem>> -> memref<6400xf32, #tpu.memory_space<vmem>>
      tpu.wait_dma2 semaphore(%arg10 : memref<!tpu.dma_semaphore, #tpu.memory_space<semaphore_mem>>) src(%dma_wait3A_187 : memref<6400xf32, #tpu.memory_space<vmem>>) dst(%dma_wait3A_184 : memref<6400xf32, #tpu.memory_space<hbm>>)
      %parallel_loop3A_188 = arith.constant 0 : i32
      %parallel_loop3A_189 = arith.constant 6400 : i32
      %parallel_loop3A_190 = arith.constant 16 : i32
      scf.for %parallel_loop3A_466 = %parallel_loop3A_188 to %parallel_loop3A_189 step %parallel_loop3A_190  : i32 {
        %parallel_loop3A_467 = arith.constant 0 : i32
        %parallel_loop3A_468 = arith.index_cast %parallel_loop3A_467 : i32 to index
        %parallel_loop3A_469 = arith.index_cast %parallel_loop3A_466 : i32 to index
        %parallel_loop3A_470 = tpu.vector_load %arg6[%parallel_loop3A_468, %parallel_loop3A_469] {strides = array<i32>} : memref<2x6400xi32, #tpu.memory_space<vmem>>, vector<16xi32>,
        %parallel_loop3A_471 = tpu.vector_load_idx %arg5[%parallel_loop3A_470] : memref<100000xf32, #tpu.memory_space<vmem>>[vector<16xi32>], vector<16xf32>,
        %parallel_loop3A_472 = arith.constant 0 : i32
        %parallel_loop3A_473 = arith.index_cast %parallel_loop3A_472 : i32 to index
        %parallel_loop3A_474 = arith.index_cast %parallel_loop3A_466 : i32 to index
        %parallel_loop3A_475 = tpu.vector_load %arg7[%parallel_loop3A_473, %parallel_loop3A_474] {strides = array<i32>} : memref<2x6400xf32, #tpu.memory_space<vmem>>, vector<16xf32>,
        tpu.vector_store %arg7[%parallel_loop3A_473, %parallel_loop3A_474], %parallel_loop3A_471 {strides = array<i32>} : memref<2x6400xf32, #tpu.memory_space<vmem>>, vector<16xf32>,
      } {sc.loop_unroll_factor = 16 : i64, sc.parallel_access}
      %dma_start3A_191 = arith.constant 0 : i32
      %dma_start3A_192 = arith.constant 0 : i32
      %dma_start3A_193 = tpu.memref_slice %arg7[%dma_start3A_191, %dma_start3A_192] : memref<2x6400xf32, #tpu.memory_space<vmem>> -> memref<1x6400xf32, #tpu.memory_space<vmem>>
      %dma_start3A_194 = tpu.memref_squeeze %dma_start3A_193 : memref<1x6400xf32, #tpu.memory_space<vmem>> -> memref<6400xf32, #tpu.memory_space<vmem>>
      %dma_start3A_195 = arith.constant 12800 : i32
      %dma_start3A_196 = tpu.memref_slice %arg4[%add3A_35, %dma_start3A_195] : memref<832x51200xf32, #tpu.memory_space<hbm>> -> memref<1x6400xf32, #tpu.memory_space<hbm>>
      %dma_start3A_197 = tpu.memref_squeeze %dma_start3A_196 : memref<1x6400xf32, #tpu.memory_space<hbm>> -> memref<6400xf32, #tpu.memory_space<hbm>>
      %dma_start3A_198 = arith.constant 12800 : i32
      %dma_start3A_199 = tpu.memref_slice %arg4[%add3A_35, %dma_start3A_198] : memref<832x51200xf32, #tpu.memory_space<hbm>> -> memref<1x6400xf32, #tpu.memory_space<hbm>>
      %dma_start3A_200 = tpu.memref_squeeze %dma_start3A_199 : memref<1x6400xf32, #tpu.memory_space<hbm>> -> memref<6400xf32, #tpu.memory_space<hbm>>
      %dma_start3A_201 = arith.constant 0 : i32
      %dma_start3A_202 = tpu.memref_slice %arg7[%dma_start3A_191, %dma_start3A_201] : memref<2x6400xf32, #tpu.memory_space<vmem>> -> memref<1x6400xf32, #tpu.memory_space<vmem>>
      %dma_start3A_203 = tpu.memref_squeeze %dma_start3A_202 : memref<1x6400xf32, #tpu.memory_space<vmem>> -> memref<6400xf32, #tpu.memory_space<vmem>>
      tpu.enqueue_dma source(%dma_start3A_203 : memref<6400xf32, #tpu.memory_space<vmem>>) target(%dma_start3A_200 : memref<6400xf32, #tpu.memory_space<hbm>>) target_semaphore(%arg10 : memref<!tpu.dma_semaphore, #tpu.memory_space<semaphore_mem>>)
      %dma_start3A_204 = arith.constant 0 : i32
      %dma_start3A_205 = arith.constant 0 : i32
      %dma_start3A_206 = tpu.memref_slice %arg6[%dma_start3A_204, %dma_start3A_205] : memref<2x6400xi32, #tpu.memory_space<vmem>> -> memref<1x6400xi32, #tpu.memory_space<vmem>>
      %dma_start3A_207 = tpu.memref_squeeze %dma_start3A_206 : memref<1x6400xi32, #tpu.memory_space<vmem>> -> memref<6400xi32, #tpu.memory_space<vmem>>
      %dma_start3A_208 = arith.constant 25600 : i32
      %dma_start3A_209 = tpu.memref_slice %arg3[%select_n3A, %dma_start3A_208] : memref<26x51200xi32, #tpu.memory_space<hbm>> -> memref<1x6400xi32, #tpu.memory_space<hbm>>
      %dma_start3A_210 = tpu.memref_squeeze %dma_start3A_209 : memref<1x6400xi32, #tpu.memory_space<hbm>> -> memref<6400xi32, #tpu.memory_space<hbm>>
      %dma_start3A_211 = arith.constant 0 : i32
      %dma_start3A_212 = tpu.memref_slice %arg6[%dma_start3A_204, %dma_start3A_211] : memref<2x6400xi32, #tpu.memory_space<vmem>> -> memref<1x6400xi32, #tpu.memory_space<vmem>>
      %dma_start3A_213 = tpu.memref_squeeze %dma_start3A_212 : memref<1x6400xi32, #tpu.memory_space<vmem>> -> memref<6400xi32, #tpu.memory_space<vmem>>
      %dma_start3A_214 = arith.constant 25600 : i32
      %dma_start3A_215 = tpu.memref_slice %arg3[%select_n3A, %dma_start3A_214] : memref<26x51200xi32, #tpu.memory_space<hbm>> -> memref<1x6400xi32, #tpu.memory_space<hbm>>
      %dma_start3A_216 = tpu.memref_squeeze %dma_start3A_215 : memref<1x6400xi32, #tpu.memory_space<hbm>> -> memref<6400xi32, #tpu.memory_space<hbm>>
      tpu.enqueue_dma source(%dma_start3A_216 : memref<6400xi32, #tpu.memory_space<hbm>>) target(%dma_start3A_213 : memref<6400xi32, #tpu.memory_space<vmem>>) target_semaphore(%arg8 : memref<!tpu.dma_semaphore, #tpu.memory_space<semaphore_mem>>)
      %dma_wait3A_217 = arith.constant 1 : i32
      %dma_wait3A_218 = arith.constant 0 : i32
      %dma_wait3A_219 = tpu.memref_slice %arg6[%dma_wait3A_217, %dma_wait3A_218] : memref<2x6400xi32, #tpu.memory_space<vmem>> -> memref<1x6400xi32, #tpu.memory_space<vmem>>
      %dma_wait3A_220 = tpu.memref_squeeze %dma_wait3A_219 : memref<1x6400xi32, #tpu.memory_space<vmem>> -> memref<6400xi32, #tpu.memory_space<vmem>>
      %dma_wait3A_221 = arith.constant 19200 : i32
      %dma_wait3A_222 = tpu.memref_slice %arg3[%select_n3A, %dma_wait3A_221] : memref<26x51200xi32, #tpu.memory_space<hbm>> -> memref<1x6400xi32, #tpu.memory_space<hbm>>
      %dma_wait3A_223 = tpu.memref_squeeze %dma_wait3A_222 : memref<1x6400xi32, #tpu.memory_space<hbm>> -> memref<6400xi32, #tpu.memory_space<hbm>>
      %dma_wait3A_224 = arith.constant 0 : i32
      %dma_wait3A_225 = tpu.memref_slice %arg6[%dma_wait3A_217, %dma_wait3A_224] : memref<2x6400xi32, #tpu.memory_space<vmem>> -> memref<1x6400xi32, #tpu.memory_space<vmem>>
      %dma_wait3A_226 = tpu.memref_squeeze %dma_wait3A_225 : memref<1x6400xi32, #tpu.memory_space<vmem>> -> memref<6400xi32, #tpu.memory_space<vmem>>
      %dma_wait3A_227 = arith.constant 19200 : i32
      %dma_wait3A_228 = tpu.memref_slice %arg3[%select_n3A, %dma_wait3A_227] : memref<26x51200xi32, #tpu.memory_space<hbm>> -> memref<1x6400xi32, #tpu.memory_space<hbm>>
      %dma_wait3A_229 = tpu.memref_squeeze %dma_wait3A_228 : memref<1x6400xi32, #tpu.memory_space<hbm>> -> memref<6400xi32, #tpu.memory_space<hbm>>
      tpu.wait_dma2 semaphore(%arg9 : memref<!tpu.dma_semaphore, #tpu.memory_space<semaphore_mem>>) src(%dma_wait3A_229 : memref<6400xi32, #tpu.memory_space<hbm>>) dst(%dma_wait3A_226 : memref<6400xi32, #tpu.memory_space<vmem>>)
      %dma_wait3A_230 = arith.constant 1 : i32
      %dma_wait3A_231 = arith.constant 0 : i32
      %dma_wait3A_232 = tpu.memref_slice %arg7[%dma_wait3A_230, %dma_wait3A_231] : memref<2x6400xf32, #tpu.memory_space<vmem>> -> memref<1x6400xf32, #tpu.memory_space<vmem>>
      %dma_wait3A_233 = tpu.memref_squeeze %dma_wait3A_232 : memref<1x6400xf32, #tpu.memory_space<vmem>> -> memref<6400xf32, #tpu.memory_space<vmem>>
      %dma_wait3A_234 = arith.constant 6400 : i32
      %dma_wait3A_235 = tpu.memref_slice %arg4[%add3A_35, %dma_wait3A_234] : memref<832x51200xf32, #tpu.memory_space<hbm>> -> memref<1x6400xf32, #tpu.memory_space<hbm>>
      %dma_wait3A_236 = tpu.memref_squeeze %dma_wait3A_235 : memref<1x6400xf32, #tpu.memory_space<hbm>> -> memref<6400xf32, #tpu.memory_space<hbm>>
      %dma_wait3A_237 = arith.constant 6400 : i32
      %dma_wait3A_238 = tpu.memref_slice %arg4[%add3A_35, %dma_wait3A_237] : memref<832x51200xf32, #tpu.memory_space<hbm>> -> memref<1x6400xf32, #tpu.memory_space<hbm>>
      %dma_wait3A_239 = tpu.memref_squeeze %dma_wait3A_238 : memref<1x6400xf32, #tpu.memory_space<hbm>> -> memref<6400xf32, #tpu.memory_space<hbm>>
      %dma_wait3A_240 = arith.constant 0 : i32
      %dma_wait3A_241 = tpu.memref_slice %arg7[%dma_wait3A_230, %dma_wait3A_240] : memref<2x6400xf32, #tpu.memory_space<vmem>> -> memref<1x6400xf32, #tpu.memory_space<vmem>>
      %dma_wait3A_242 = tpu.memref_squeeze %dma_wait3A_241 : memref<1x6400xf32, #tpu.memory_space<vmem>> -> memref<6400xf32, #tpu.memory_space<vmem>>
      tpu.wait_dma2 semaphore(%arg11 : memref<!tpu.dma_semaphore, #tpu.memory_space<semaphore_mem>>) src(%dma_wait3A_242 : memref<6400xf32, #tpu.memory_space<vmem>>) dst(%dma_wait3A_239 : memref<6400xf32, #tpu.memory_space<hbm>>)
      %parallel_loop3A_243 = arith.constant 0 : i32
      %parallel_loop3A_244 = arith.constant 6400 : i32
      %parallel_loop3A_245 = arith.constant 16 : i32
      scf.for %parallel_loop3A_466 = %parallel_loop3A_243 to %parallel_loop3A_244 step %parallel_loop3A_245  : i32 {
        %parallel_loop3A_467 = arith.constant 1 : i32
        %parallel_loop3A_468 = arith.index_cast %parallel_loop3A_467 : i32 to index
        %parallel_loop3A_469 = arith.index_cast %parallel_loop3A_466 : i32 to index
        %parallel_loop3A_470 = tpu.vector_load %arg6[%parallel_loop3A_468, %parallel_loop3A_469] {strides = array<i32>} : memref<2x6400xi32, #tpu.memory_space<vmem>>, vector<16xi32>,
        %parallel_loop3A_471 = tpu.vector_load_idx %arg5[%parallel_loop3A_470] : memref<100000xf32, #tpu.memory_space<vmem>>[vector<16xi32>], vector<16xf32>,
        %parallel_loop3A_472 = arith.constant 1 : i32
        %parallel_loop3A_473 = arith.index_cast %parallel_loop3A_472 : i32 to index
        %parallel_loop3A_474 = arith.index_cast %parallel_loop3A_466 : i32 to index
        %parallel_loop3A_475 = tpu.vector_load %arg7[%parallel_loop3A_473, %parallel_loop3A_474] {strides = array<i32>} : memref<2x6400xf32, #tpu.memory_space<vmem>>, vector<16xf32>,
        tpu.vector_store %arg7[%parallel_loop3A_473, %parallel_loop3A_474], %parallel_loop3A_471 {strides = array<i32>} : memref<2x6400xf32, #tpu.memory_space<vmem>>, vector<16xf32>,
      } {sc.loop_unroll_factor = 16 : i64, sc.parallel_access}
      %dma_start3A_246 = arith.constant 1 : i32
      %dma_start3A_247 = arith.constant 0 : i32
      %dma_start3A_248 = tpu.memref_slice %arg7[%dma_start3A_246, %dma_start3A_247] : memref<2x6400xf32, #tpu.memory_space<vmem>> -> memref<1x6400xf32, #tpu.memory_space<vmem>>
      %dma_start3A_249 = tpu.memref_squeeze %dma_start3A_248 : memref<1x6400xf32, #tpu.memory_space<vmem>> -> memref<6400xf32, #tpu.memory_space<vmem>>
      %dma_start3A_250 = arith.constant 19200 : i32
      %dma_start3A_251 = tpu.memref_slice %arg4[%add3A_35, %dma_start3A_250] : memref<832x51200xf32, #tpu.memory_space<hbm>> -> memref<1x6400xf32, #tpu.memory_space<hbm>>
      %dma_start3A_252 = tpu.memref_squeeze %dma_start3A_251 : memref<1x6400xf32, #tpu.memory_space<hbm>> -> memref<6400xf32, #tpu.memory_space<hbm>>
      %dma_start3A_253 = arith.constant 19200 : i32
      %dma_start3A_254 = tpu.memref_slice %arg4[%add3A_35, %dma_start3A_253] : memref<832x51200xf32, #tpu.memory_space<hbm>> -> memref<1x6400xf32, #tpu.memory_space<hbm>>
      %dma_start3A_255 = tpu.memref_squeeze %dma_start3A_254 : memref<1x6400xf32, #tpu.memory_space<hbm>> -> memref<6400xf32, #tpu.memory_space<hbm>>
      %dma_start3A_256 = arith.constant 0 : i32
      %dma_start3A_257 = tpu.memref_slice %arg7[%dma_start3A_246, %dma_start3A_256] : memref<2x6400xf32, #tpu.memory_space<vmem>> -> memref<1x6400xf32, #tpu.memory_space<vmem>>
      %dma_start3A_258 = tpu.memref_squeeze %dma_start3A_257 : memref<1x6400xf32, #tpu.memory_space<vmem>> -> memref<6400xf32, #tpu.memory_space<vmem>>
      tpu.enqueue_dma source(%dma_start3A_258 : memref<6400xf32, #tpu.memory_space<vmem>>) target(%dma_start3A_255 : memref<6400xf32, #tpu.memory_space<hbm>>) target_semaphore(%arg11 : memref<!tpu.dma_semaphore, #tpu.memory_space<semaphore_mem>>)
      %dma_start3A_259 = arith.constant 1 : i32
      %dma_start3A_260 = arith.constant 0 : i32
      %dma_start3A_261 = tpu.memref_slice %arg6[%dma_start3A_259, %dma_start3A_260] : memref<2x6400xi32, #tpu.memory_space<vmem>> -> memref<1x6400xi32, #tpu.memory_space<vmem>>
      %dma_start3A_262 = tpu.memref_squeeze %dma_start3A_261 : memref<1x6400xi32, #tpu.memory_space<vmem>> -> memref<6400xi32, #tpu.memory_space<vmem>>
      %dma_start3A_263 = arith.constant 32000 : i32
      %dma_start3A_264 = tpu.memref_slice %arg3[%select_n3A, %dma_start3A_263] : memref<26x51200xi32, #tpu.memory_space<hbm>> -> memref<1x6400xi32, #tpu.memory_space<hbm>>
      %dma_start3A_265 = tpu.memref_squeeze %dma_start3A_264 : memref<1x6400xi32, #tpu.memory_space<hbm>> -> memref<6400xi32, #tpu.memory_space<hbm>>
      %dma_start3A_266 = arith.constant 0 : i32
      %dma_start3A_267 = tpu.memref_slice %arg6[%dma_start3A_259, %dma_start3A_266] : memref<2x6400xi32, #tpu.memory_space<vmem>> -> memref<1x6400xi32, #tpu.memory_space<vmem>>
      %dma_start3A_268 = tpu.memref_squeeze %dma_start3A_267 : memref<1x6400xi32, #tpu.memory_space<vmem>> -> memref<6400xi32, #tpu.memory_space<vmem>>
      %dma_start3A_269 = arith.constant 32000 : i32
      %dma_start3A_270 = tpu.memref_slice %arg3[%select_n3A, %dma_start3A_269] : memref<26x51200xi32, #tpu.memory_space<hbm>> -> memref<1x6400xi32, #tpu.memory_space<hbm>>
      %dma_start3A_271 = tpu.memref_squeeze %dma_start3A_270 : memref<1x6400xi32, #tpu.memory_space<hbm>> -> memref<6400xi32, #tpu.memory_space<hbm>>
      tpu.enqueue_dma source(%dma_start3A_271 : memref<6400xi32, #tpu.memory_space<hbm>>) target(%dma_start3A_268 : memref<6400xi32, #tpu.memory_space<vmem>>) target_semaphore(%arg9 : memref<!tpu.dma_semaphore, #tpu.memory_space<semaphore_mem>>)
      %dma_wait3A_272 = arith.constant 0 : i32
      %dma_wait3A_273 = arith.constant 0 : i32
      %dma_wait3A_274 = tpu.memref_slice %arg6[%dma_wait3A_272, %dma_wait3A_273] : memref<2x6400xi32, #tpu.memory_space<vmem>> -> memref<1x6400xi32, #tpu.memory_space<vmem>>
      %dma_wait3A_275 = tpu.memref_squeeze %dma_wait3A_274 : memref<1x6400xi32, #tpu.memory_space<vmem>> -> memref<6400xi32, #tpu.memory_space<vmem>>
      %dma_wait3A_276 = arith.constant 25600 : i32
      %dma_wait3A_277 = tpu.memref_slice %arg3[%select_n3A, %dma_wait3A_276] : memref<26x51200xi32, #tpu.memory_space<hbm>> -> memref<1x6400xi32, #tpu.memory_space<hbm>>
      %dma_wait3A_278 = tpu.memref_squeeze %dma_wait3A_277 : memref<1x6400xi32, #tpu.memory_space<hbm>> -> memref<6400xi32, #tpu.memory_space<hbm>>
      %dma_wait3A_279 = arith.constant 0 : i32
      %dma_wait3A_280 = tpu.memref_slice %arg6[%dma_wait3A_272, %dma_wait3A_279] : memref<2x6400xi32, #tpu.memory_space<vmem>> -> memref<1x6400xi32, #tpu.memory_space<vmem>>
      %dma_wait3A_281 = tpu.memref_squeeze %dma_wait3A_280 : memref<1x6400xi32, #tpu.memory_space<vmem>> -> memref<6400xi32, #tpu.memory_space<vmem>>
      %dma_wait3A_282 = arith.constant 25600 : i32
      %dma_wait3A_283 = tpu.memref_slice %arg3[%select_n3A, %dma_wait3A_282] : memref<26x51200xi32, #tpu.memory_space<hbm>> -> memref<1x6400xi32, #tpu.memory_space<hbm>>
      %dma_wait3A_284 = tpu.memref_squeeze %dma_wait3A_283 : memref<1x6400xi32, #tpu.memory_space<hbm>> -> memref<6400xi32, #tpu.memory_space<hbm>>
      tpu.wait_dma2 semaphore(%arg8 : memref<!tpu.dma_semaphore, #tpu.memory_space<semaphore_mem>>) src(%dma_wait3A_284 : memref<6400xi32, #tpu.memory_space<hbm>>) dst(%dma_wait3A_281 : memref<6400xi32, #tpu.memory_space<vmem>>)
      %dma_wait3A_285 = arith.constant 0 : i32
      %dma_wait3A_286 = arith.constant 0 : i32
      %dma_wait3A_287 = tpu.memref_slice %arg7[%dma_wait3A_285, %dma_wait3A_286] : memref<2x6400xf32, #tpu.memory_space<vmem>> -> memref<1x6400xf32, #tpu.memory_space<vmem>>
      %dma_wait3A_288 = tpu.memref_squeeze %dma_wait3A_287 : memref<1x6400xf32, #tpu.memory_space<vmem>> -> memref<6400xf32, #tpu.memory_space<vmem>>
      %dma_wait3A_289 = arith.constant 12800 : i32
      %dma_wait3A_290 = tpu.memref_slice %arg4[%add3A_35, %dma_wait3A_289] : memref<832x51200xf32, #tpu.memory_space<hbm>> -> memref<1x6400xf32, #tpu.memory_space<hbm>>
      %dma_wait3A_291 = tpu.memref_squeeze %dma_wait3A_290 : memref<1x6400xf32, #tpu.memory_space<hbm>> -> memref<6400xf32, #tpu.memory_space<hbm>>
      %dma_wait3A_292 = arith.constant 12800 : i32
      %dma_wait3A_293 = tpu.memref_slice %arg4[%add3A_35, %dma_wait3A_292] : memref<832x51200xf32, #tpu.memory_space<hbm>> -> memref<1x6400xf32, #tpu.memory_space<hbm>>
      %dma_wait3A_294 = tpu.memref_squeeze %dma_wait3A_293 : memref<1x6400xf32, #tpu.memory_space<hbm>> -> memref<6400xf32, #tpu.memory_space<hbm>>
      %dma_wait3A_295 = arith.constant 0 : i32
      %dma_wait3A_296 = tpu.memref_slice %arg7[%dma_wait3A_285, %dma_wait3A_295] : memref<2x6400xf32, #tpu.memory_space<vmem>> -> memref<1x6400xf32, #tpu.memory_space<vmem>>
      %dma_wait3A_297 = tpu.memref_squeeze %dma_wait3A_296 : memref<1x6400xf32, #tpu.memory_space<vmem>> -> memref<6400xf32, #tpu.memory_space<vmem>>
      tpu.wait_dma2 semaphore(%arg10 : memref<!tpu.dma_semaphore, #tpu.memory_space<semaphore_mem>>) src(%dma_wait3A_297 : memref<6400xf32, #tpu.memory_space<vmem>>) dst(%dma_wait3A_294 : memref<6400xf32, #tpu.memory_space<hbm>>)
      %parallel_loop3A_298 = arith.constant 0 : i32
      %parallel_loop3A_299 = arith.constant 6400 : i32
      %parallel_loop3A_300 = arith.constant 16 : i32
      scf.for %parallel_loop3A_466 = %parallel_loop3A_298 to %parallel_loop3A_299 step %parallel_loop3A_300  : i32 {
        %parallel_loop3A_467 = arith.constant 0 : i32
        %parallel_loop3A_468 = arith.index_cast %parallel_loop3A_467 : i32 to index
        %parallel_loop3A_469 = arith.index_cast %parallel_loop3A_466 : i32 to index
        %parallel_loop3A_470 = tpu.vector_load %arg6[%parallel_loop3A_468, %parallel_loop3A_469] {strides = array<i32>} : memref<2x6400xi32, #tpu.memory_space<vmem>>, vector<16xi32>,
        %parallel_loop3A_471 = tpu.vector_load_idx %arg5[%parallel_loop3A_470] : memref<100000xf32, #tpu.memory_space<vmem>>[vector<16xi32>], vector<16xf32>,
        %parallel_loop3A_472 = arith.constant 0 : i32
        %parallel_loop3A_473 = arith.index_cast %parallel_loop3A_472 : i32 to index
        %parallel_loop3A_474 = arith.index_cast %parallel_loop3A_466 : i32 to index
        %parallel_loop3A_475 = tpu.vector_load %arg7[%parallel_loop3A_473, %parallel_loop3A_474] {strides = array<i32>} : memref<2x6400xf32, #tpu.memory_space<vmem>>, vector<16xf32>,
        tpu.vector_store %arg7[%parallel_loop3A_473, %parallel_loop3A_474], %parallel_loop3A_471 {strides = array<i32>} : memref<2x6400xf32, #tpu.memory_space<vmem>>, vector<16xf32>,
      } {sc.loop_unroll_factor = 16 : i64, sc.parallel_access}
      %dma_start3A_301 = arith.constant 0 : i32
      %dma_start3A_302 = arith.constant 0 : i32
      %dma_start3A_303 = tpu.memref_slice %arg7[%dma_start3A_301, %dma_start3A_302] : memref<2x6400xf32, #tpu.memory_space<vmem>> -> memref<1x6400xf32, #tpu.memory_space<vmem>>
      %dma_start3A_304 = tpu.memref_squeeze %dma_start3A_303 : memref<1x6400xf32, #tpu.memory_space<vmem>> -> memref<6400xf32, #tpu.memory_space<vmem>>
      %dma_start3A_305 = arith.constant 25600 : i32
      %dma_start3A_306 = tpu.memref_slice %arg4[%add3A_35, %dma_start3A_305] : memref<832x51200xf32, #tpu.memory_space<hbm>> -> memref<1x6400xf32, #tpu.memory_space<hbm>>
      %dma_start3A_307 = tpu.memref_squeeze %dma_start3A_306 : memref<1x6400xf32, #tpu.memory_space<hbm>> -> memref<6400xf32, #tpu.memory_space<hbm>>
      %dma_start3A_308 = arith.constant 25600 : i32
      %dma_start3A_309 = tpu.memref_slice %arg4[%add3A_35, %dma_start3A_308] : memref<832x51200xf32, #tpu.memory_space<hbm>> -> memref<1x6400xf32, #tpu.memory_space<hbm>>
      %dma_start3A_310 = tpu.memref_squeeze %dma_start3A_309 : memref<1x6400xf32, #tpu.memory_space<hbm>> -> memref<6400xf32, #tpu.memory_space<hbm>>
      %dma_start3A_311 = arith.constant 0 : i32
      %dma_start3A_312 = tpu.memref_slice %arg7[%dma_start3A_301, %dma_start3A_311] : memref<2x6400xf32, #tpu.memory_space<vmem>> -> memref<1x6400xf32, #tpu.memory_space<vmem>>
      %dma_start3A_313 = tpu.memref_squeeze %dma_start3A_312 : memref<1x6400xf32, #tpu.memory_space<vmem>> -> memref<6400xf32, #tpu.memory_space<vmem>>
      tpu.enqueue_dma source(%dma_start3A_313 : memref<6400xf32, #tpu.memory_space<vmem>>) target(%dma_start3A_310 : memref<6400xf32, #tpu.memory_space<hbm>>) target_semaphore(%arg10 : memref<!tpu.dma_semaphore, #tpu.memory_space<semaphore_mem>>)
      %dma_start3A_314 = arith.constant 0 : i32
      %dma_start3A_315 = arith.constant 0 : i32
      %dma_start3A_316 = tpu.memref_slice %arg6[%dma_start3A_314, %dma_start3A_315] : memref<2x6400xi32, #tpu.memory_space<vmem>> -> memref<1x6400xi32, #tpu.memory_space<vmem>>
      %dma_start3A_317 = tpu.memref_squeeze %dma_start3A_316 : memref<1x6400xi32, #tpu.memory_space<vmem>> -> memref<6400xi32, #tpu.memory_space<vmem>>
      %dma_start3A_318 = arith.constant 38400 : i32
      %dma_start3A_319 = tpu.memref_slice %arg3[%select_n3A, %dma_start3A_318] : memref<26x51200xi32, #tpu.memory_space<hbm>> -> memref<1x6400xi32, #tpu.memory_space<hbm>>
      %dma_start3A_320 = tpu.memref_squeeze %dma_start3A_319 : memref<1x6400xi32, #tpu.memory_space<hbm>> -> memref<6400xi32, #tpu.memory_space<hbm>>
      %dma_start3A_321 = arith.constant 0 : i32
      %dma_start3A_322 = tpu.memref_slice %arg6[%dma_start3A_314, %dma_start3A_321] : memref<2x6400xi32, #tpu.memory_space<vmem>> -> memref<1x6400xi32, #tpu.memory_space<vmem>>
      %dma_start3A_323 = tpu.memref_squeeze %dma_start3A_322 : memref<1x6400xi32, #tpu.memory_space<vmem>> -> memref<6400xi32, #tpu.memory_space<vmem>>
      %dma_start3A_324 = arith.constant 38400 : i32
      %dma_start3A_325 = tpu.memref_slice %arg3[%select_n3A, %dma_start3A_324] : memref<26x51200xi32, #tpu.memory_space<hbm>> -> memref<1x6400xi32, #tpu.memory_space<hbm>>
      %dma_start3A_326 = tpu.memref_squeeze %dma_start3A_325 : memref<1x6400xi32, #tpu.memory_space<hbm>> -> memref<6400xi32, #tpu.memory_space<hbm>>
      tpu.enqueue_dma source(%dma_start3A_326 : memref<6400xi32, #tpu.memory_space<hbm>>) target(%dma_start3A_323 : memref<6400xi32, #tpu.memory_space<vmem>>) target_semaphore(%arg8 : memref<!tpu.dma_semaphore, #tpu.memory_space<semaphore_mem>>)
      %dma_wait3A_327 = arith.constant 1 : i32
      %dma_wait3A_328 = arith.constant 0 : i32
      %dma_wait3A_329 = tpu.memref_slice %arg6[%dma_wait3A_327, %dma_wait3A_328] : memref<2x6400xi32, #tpu.memory_space<vmem>> -> memref<1x6400xi32, #tpu.memory_space<vmem>>
      %dma_wait3A_330 = tpu.memref_squeeze %dma_wait3A_329 : memref<1x6400xi32, #tpu.memory_space<vmem>> -> memref<6400xi32, #tpu.memory_space<vmem>>
      %dma_wait3A_331 = arith.constant 32000 : i32
      %dma_wait3A_332 = tpu.memref_slice %arg3[%select_n3A, %dma_wait3A_331] : memref<26x51200xi32, #tpu.memory_space<hbm>> -> memref<1x6400xi32, #tpu.memory_space<hbm>>
      %dma_wait3A_333 = tpu.memref_squeeze %dma_wait3A_332 : memref<1x6400xi32, #tpu.memory_space<hbm>> -> memref<6400xi32, #tpu.memory_space<hbm>>
      %dma_wait3A_334 = arith.constant 0 : i32
      %dma_wait3A_335 = tpu.memref_slice %arg6[%dma_wait3A_327, %dma_wait3A_334] : memref<2x6400xi32, #tpu.memory_space<vmem>> -> memref<1x6400xi32, #tpu.memory_space<vmem>>
      %dma_wait3A_336 = tpu.memref_squeeze %dma_wait3A_335 : memref<1x6400xi32, #tpu.memory_space<vmem>> -> memref<6400xi32, #tpu.memory_space<vmem>>
      %dma_wait3A_337 = arith.constant 32000 : i32
      %dma_wait3A_338 = tpu.memref_slice %arg3[%select_n3A, %dma_wait3A_337] : memref<26x51200xi32, #tpu.memory_space<hbm>> -> memref<1x6400xi32, #tpu.memory_space<hbm>>
      %dma_wait3A_339 = tpu.memref_squeeze %dma_wait3A_338 : memref<1x6400xi32, #tpu.memory_space<hbm>> -> memref<6400xi32, #tpu.memory_space<hbm>>
      tpu.wait_dma2 semaphore(%arg9 : memref<!tpu.dma_semaphore, #tpu.memory_space<semaphore_mem>>) src(%dma_wait3A_339 : memref<6400xi32, #tpu.memory_space<hbm>>) dst(%dma_wait3A_336 : memref<6400xi32, #tpu.memory_space<vmem>>)
      %dma_wait3A_340 = arith.constant 1 : i32
      %dma_wait3A_341 = arith.constant 0 : i32
      %dma_wait3A_342 = tpu.memref_slice %arg7[%dma_wait3A_340, %dma_wait3A_341] : memref<2x6400xf32, #tpu.memory_space<vmem>> -> memref<1x6400xf32, #tpu.memory_space<vmem>>
      %dma_wait3A_343 = tpu.memref_squeeze %dma_wait3A_342 : memref<1x6400xf32, #tpu.memory_space<vmem>> -> memref<6400xf32, #tpu.memory_space<vmem>>
      %dma_wait3A_344 = arith.constant 19200 : i32
      %dma_wait3A_345 = tpu.memref_slice %arg4[%add3A_35, %dma_wait3A_344] : memref<832x51200xf32, #tpu.memory_space<hbm>> -> memref<1x6400xf32, #tpu.memory_space<hbm>>
      %dma_wait3A_346 = tpu.memref_squeeze %dma_wait3A_345 : memref<1x6400xf32, #tpu.memory_space<hbm>> -> memref<6400xf32, #tpu.memory_space<hbm>>
      %dma_wait3A_347 = arith.constant 19200 : i32
      %dma_wait3A_348 = tpu.memref_slice %arg4[%add3A_35, %dma_wait3A_347] : memref<832x51200xf32, #tpu.memory_space<hbm>> -> memref<1x6400xf32, #tpu.memory_space<hbm>>
      %dma_wait3A_349 = tpu.memref_squeeze %dma_wait3A_348 : memref<1x6400xf32, #tpu.memory_space<hbm>> -> memref<6400xf32, #tpu.memory_space<hbm>>
      %dma_wait3A_350 = arith.constant 0 : i32
      %dma_wait3A_351 = tpu.memref_slice %arg7[%dma_wait3A_340, %dma_wait3A_350] : memref<2x6400xf32, #tpu.memory_space<vmem>> -> memref<1x6400xf32, #tpu.memory_space<vmem>>
      %dma_wait3A_352 = tpu.memref_squeeze %dma_wait3A_351 : memref<1x6400xf32, #tpu.memory_space<vmem>> -> memref<6400xf32, #tpu.memory_space<vmem>>
      tpu.wait_dma2 semaphore(%arg11 : memref<!tpu.dma_semaphore, #tpu.memory_space<semaphore_mem>>) src(%dma_wait3A_352 : memref<6400xf32, #tpu.memory_space<vmem>>) dst(%dma_wait3A_349 : memref<6400xf32, #tpu.memory_space<hbm>>)
      %parallel_loop3A_353 = arith.constant 0 : i32
      %parallel_loop3A_354 = arith.constant 6400 : i32
      %parallel_loop3A_355 = arith.constant 16 : i32
      scf.for %parallel_loop3A_466 = %parallel_loop3A_353 to %parallel_loop3A_354 step %parallel_loop3A_355  : i32 {
        %parallel_loop3A_467 = arith.constant 1 : i32
        %parallel_loop3A_468 = arith.index_cast %parallel_loop3A_467 : i32 to index
        %parallel_loop3A_469 = arith.index_cast %parallel_loop3A_466 : i32 to index
        %parallel_loop3A_470 = tpu.vector_load %arg6[%parallel_loop3A_468, %parallel_loop3A_469] {strides = array<i32>} : memref<2x6400xi32, #tpu.memory_space<vmem>>, vector<16xi32>,
        %parallel_loop3A_471 = tpu.vector_load_idx %arg5[%parallel_loop3A_470] : memref<100000xf32, #tpu.memory_space<vmem>>[vector<16xi32>], vector<16xf32>,
        %parallel_loop3A_472 = arith.constant 1 : i32
        %parallel_loop3A_473 = arith.index_cast %parallel_loop3A_472 : i32 to index
        %parallel_loop3A_474 = arith.index_cast %parallel_loop3A_466 : i32 to index
        %parallel_loop3A_475 = tpu.vector_load %arg7[%parallel_loop3A_473, %parallel_loop3A_474] {strides = array<i32>} : memref<2x6400xf32, #tpu.memory_space<vmem>>, vector<16xf32>,
        tpu.vector_store %arg7[%parallel_loop3A_473, %parallel_loop3A_474], %parallel_loop3A_471 {strides = array<i32>} : memref<2x6400xf32, #tpu.memory_space<vmem>>, vector<16xf32>,
      } {sc.loop_unroll_factor = 16 : i64, sc.parallel_access}
      %dma_start3A_356 = arith.constant 1 : i32
      %dma_start3A_357 = arith.constant 0 : i32
      %dma_start3A_358 = tpu.memref_slice %arg7[%dma_start3A_356, %dma_start3A_357] : memref<2x6400xf32, #tpu.memory_space<vmem>> -> memref<1x6400xf32, #tpu.memory_space<vmem>>
      %dma_start3A_359 = tpu.memref_squeeze %dma_start3A_358 : memref<1x6400xf32, #tpu.memory_space<vmem>> -> memref<6400xf32, #tpu.memory_space<vmem>>
      %dma_start3A_360 = arith.constant 32000 : i32
      %dma_start3A_361 = tpu.memref_slice %arg4[%add3A_35, %dma_start3A_360] : memref<832x51200xf32, #tpu.memory_space<hbm>> -> memref<1x6400xf32, #tpu.memory_space<hbm>>
      %dma_start3A_362 = tpu.memref_squeeze %dma_start3A_361 : memref<1x6400xf32, #tpu.memory_space<hbm>> -> memref<6400xf32, #tpu.memory_space<hbm>>
      %dma_start3A_363 = arith.constant 32000 : i32
      %dma_start3A_364 = tpu.memref_slice %arg4[%add3A_35, %dma_start3A_363] : memref<832x51200xf32, #tpu.memory_space<hbm>> -> memref<1x6400xf32, #tpu.memory_space<hbm>>
      %dma_start3A_365 = tpu.memref_squeeze %dma_start3A_364 : memref<1x6400xf32, #tpu.memory_space<hbm>> -> memref<6400xf32, #tpu.memory_space<hbm>>
      %dma_start3A_366 = arith.constant 0 : i32
      %dma_start3A_367 = tpu.memref_slice %arg7[%dma_start3A_356, %dma_start3A_366] : memref<2x6400xf32, #tpu.memory_space<vmem>> -> memref<1x6400xf32, #tpu.memory_space<vmem>>
      %dma_start3A_368 = tpu.memref_squeeze %dma_start3A_367 : memref<1x6400xf32, #tpu.memory_space<vmem>> -> memref<6400xf32, #tpu.memory_space<vmem>>
      tpu.enqueue_dma source(%dma_start3A_368 : memref<6400xf32, #tpu.memory_space<vmem>>) target(%dma_start3A_365 : memref<6400xf32, #tpu.memory_space<hbm>>) target_semaphore(%arg11 : memref<!tpu.dma_semaphore, #tpu.memory_space<semaphore_mem>>)
      %dma_start3A_369 = arith.constant 1 : i32
      %dma_start3A_370 = arith.constant 0 : i32
      %dma_start3A_371 = tpu.memref_slice %arg6[%dma_start3A_369, %dma_start3A_370] : memref<2x6400xi32, #tpu.memory_space<vmem>> -> memref<1x6400xi32, #tpu.memory_space<vmem>>
      %dma_start3A_372 = tpu.memref_squeeze %dma_start3A_371 : memref<1x6400xi32, #tpu.memory_space<vmem>> -> memref<6400xi32, #tpu.memory_space<vmem>>
      %dma_start3A_373 = arith.constant 44800 : i32
      %dma_start3A_374 = tpu.memref_slice %arg3[%select_n3A, %dma_start3A_373] : memref<26x51200xi32, #tpu.memory_space<hbm>> -> memref<1x6400xi32, #tpu.memory_space<hbm>>
      %dma_start3A_375 = tpu.memref_squeeze %dma_start3A_374 : memref<1x6400xi32, #tpu.memory_space<hbm>> -> memref<6400xi32, #tpu.memory_space<hbm>>
      %dma_start3A_376 = arith.constant 0 : i32
      %dma_start3A_377 = tpu.memref_slice %arg6[%dma_start3A_369, %dma_start3A_376] : memref<2x6400xi32, #tpu.memory_space<vmem>> -> memref<1x6400xi32, #tpu.memory_space<vmem>>
      %dma_start3A_378 = tpu.memref_squeeze %dma_start3A_377 : memref<1x6400xi32, #tpu.memory_space<vmem>> -> memref<6400xi32, #tpu.memory_space<vmem>>
      %dma_start3A_379 = arith.constant 44800 : i32
      %dma_start3A_380 = tpu.memref_slice %arg3[%select_n3A, %dma_start3A_379] : memref<26x51200xi32, #tpu.memory_space<hbm>> -> memref<1x6400xi32, #tpu.memory_space<hbm>>
      %dma_start3A_381 = tpu.memref_squeeze %dma_start3A_380 : memref<1x6400xi32, #tpu.memory_space<hbm>> -> memref<6400xi32, #tpu.memory_space<hbm>>
      tpu.enqueue_dma source(%dma_start3A_381 : memref<6400xi32, #tpu.memory_space<hbm>>) target(%dma_start3A_378 : memref<6400xi32, #tpu.memory_space<vmem>>) target_semaphore(%arg9 : memref<!tpu.dma_semaphore, #tpu.memory_space<semaphore_mem>>)
      %dma_wait3A_382 = arith.constant 0 : i32
      %dma_wait3A_383 = arith.constant 0 : i32
      %dma_wait3A_384 = tpu.memref_slice %arg6[%dma_wait3A_382, %dma_wait3A_383] : memref<2x6400xi32, #tpu.memory_space<vmem>> -> memref<1x6400xi32, #tpu.memory_space<vmem>>
      %dma_wait3A_385 = tpu.memref_squeeze %dma_wait3A_384 : memref<1x6400xi32, #tpu.memory_space<vmem>> -> memref<6400xi32, #tpu.memory_space<vmem>>
      %dma_wait3A_386 = arith.constant 38400 : i32
      %dma_wait3A_387 = tpu.memref_slice %arg3[%select_n3A, %dma_wait3A_386] : memref<26x51200xi32, #tpu.memory_space<hbm>> -> memref<1x6400xi32, #tpu.memory_space<hbm>>
      %dma_wait3A_388 = tpu.memref_squeeze %dma_wait3A_387 : memref<1x6400xi32, #tpu.memory_space<hbm>> -> memref<6400xi32, #tpu.memory_space<hbm>>
      %dma_wait3A_389 = arith.constant 0 : i32
      %dma_wait3A_390 = tpu.memref_slice %arg6[%dma_wait3A_382, %dma_wait3A_389] : memref<2x6400xi32, #tpu.memory_space<vmem>> -> memref<1x6400xi32, #tpu.memory_space<vmem>>
      %dma_wait3A_391 = tpu.memref_squeeze %dma_wait3A_390 : memref<1x6400xi32, #tpu.memory_space<vmem>> -> memref<6400xi32, #tpu.memory_space<vmem>>
      %dma_wait3A_392 = arith.constant 38400 : i32
      %dma_wait3A_393 = tpu.memref_slice %arg3[%select_n3A, %dma_wait3A_392] : memref<26x51200xi32, #tpu.memory_space<hbm>> -> memref<1x6400xi32, #tpu.memory_space<hbm>>
      %dma_wait3A_394 = tpu.memref_squeeze %dma_wait3A_393 : memref<1x6400xi32, #tpu.memory_space<hbm>> -> memref<6400xi32, #tpu.memory_space<hbm>>
      tpu.wait_dma2 semaphore(%arg8 : memref<!tpu.dma_semaphore, #tpu.memory_space<semaphore_mem>>) src(%dma_wait3A_394 : memref<6400xi32, #tpu.memory_space<hbm>>) dst(%dma_wait3A_391 : memref<6400xi32, #tpu.memory_space<vmem>>)
      %dma_wait3A_395 = arith.constant 0 : i32
      %dma_wait3A_396 = arith.constant 0 : i32
      %dma_wait3A_397 = tpu.memref_slice %arg7[%dma_wait3A_395, %dma_wait3A_396] : memref<2x6400xf32, #tpu.memory_space<vmem>> -> memref<1x6400xf32, #tpu.memory_space<vmem>>
      %dma_wait3A_398 = tpu.memref_squeeze %dma_wait3A_397 : memref<1x6400xf32, #tpu.memory_space<vmem>> -> memref<6400xf32, #tpu.memory_space<vmem>>
      %dma_wait3A_399 = arith.constant 25600 : i32
      %dma_wait3A_400 = tpu.memref_slice %arg4[%add3A_35, %dma_wait3A_399] : memref<832x51200xf32, #tpu.memory_space<hbm>> -> memref<1x6400xf32, #tpu.memory_space<hbm>>
      %dma_wait3A_401 = tpu.memref_squeeze %dma_wait3A_400 : memref<1x6400xf32, #tpu.memory_space<hbm>> -> memref<6400xf32, #tpu.memory_space<hbm>>
      %dma_wait3A_402 = arith.constant 25600 : i32
      %dma_wait3A_403 = tpu.memref_slice %arg4[%add3A_35, %dma_wait3A_402] : memref<832x51200xf32, #tpu.memory_space<hbm>> -> memref<1x6400xf32, #tpu.memory_space<hbm>>
      %dma_wait3A_404 = tpu.memref_squeeze %dma_wait3A_403 : memref<1x6400xf32, #tpu.memory_space<hbm>> -> memref<6400xf32, #tpu.memory_space<hbm>>
      %dma_wait3A_405 = arith.constant 0 : i32
      %dma_wait3A_406 = tpu.memref_slice %arg7[%dma_wait3A_395, %dma_wait3A_405] : memref<2x6400xf32, #tpu.memory_space<vmem>> -> memref<1x6400xf32, #tpu.memory_space<vmem>>
      %dma_wait3A_407 = tpu.memref_squeeze %dma_wait3A_406 : memref<1x6400xf32, #tpu.memory_space<vmem>> -> memref<6400xf32, #tpu.memory_space<vmem>>
      tpu.wait_dma2 semaphore(%arg10 : memref<!tpu.dma_semaphore, #tpu.memory_space<semaphore_mem>>) src(%dma_wait3A_407 : memref<6400xf32, #tpu.memory_space<vmem>>) dst(%dma_wait3A_404 : memref<6400xf32, #tpu.memory_space<hbm>>)
      %parallel_loop3A_408 = arith.constant 0 : i32
      %parallel_loop3A_409 = arith.constant 6400 : i32
      %parallel_loop3A_410 = arith.constant 16 : i32
      scf.for %parallel_loop3A_466 = %parallel_loop3A_408 to %parallel_loop3A_409 step %parallel_loop3A_410  : i32 {
        %parallel_loop3A_467 = arith.constant 0 : i32
        %parallel_loop3A_468 = arith.index_cast %parallel_loop3A_467 : i32 to index
        %parallel_loop3A_469 = arith.index_cast %parallel_loop3A_466 : i32 to index
        %parallel_loop3A_470 = tpu.vector_load %arg6[%parallel_loop3A_468, %parallel_loop3A_469] {strides = array<i32>} : memref<2x6400xi32, #tpu.memory_space<vmem>>, vector<16xi32>,
        %parallel_loop3A_471 = tpu.vector_load_idx %arg5[%parallel_loop3A_470] : memref<100000xf32, #tpu.memory_space<vmem>>[vector<16xi32>], vector<16xf32>,
        %parallel_loop3A_472 = arith.constant 0 : i32
        %parallel_loop3A_473 = arith.index_cast %parallel_loop3A_472 : i32 to index
        %parallel_loop3A_474 = arith.index_cast %parallel_loop3A_466 : i32 to index
        %parallel_loop3A_475 = tpu.vector_load %arg7[%parallel_loop3A_473, %parallel_loop3A_474] {strides = array<i32>} : memref<2x6400xf32, #tpu.memory_space<vmem>>, vector<16xf32>,
        tpu.vector_store %arg7[%parallel_loop3A_473, %parallel_loop3A_474], %parallel_loop3A_471 {strides = array<i32>} : memref<2x6400xf32, #tpu.memory_space<vmem>>, vector<16xf32>,
      } {sc.loop_unroll_factor = 16 : i64, sc.parallel_access}
      %dma_start3A_411 = arith.constant 0 : i32
      %dma_start3A_412 = arith.constant 0 : i32
      %dma_start3A_413 = tpu.memref_slice %arg7[%dma_start3A_411, %dma_start3A_412] : memref<2x6400xf32, #tpu.memory_space<vmem>> -> memref<1x6400xf32, #tpu.memory_space<vmem>>
      %dma_start3A_414 = tpu.memref_squeeze %dma_start3A_413 : memref<1x6400xf32, #tpu.memory_space<vmem>> -> memref<6400xf32, #tpu.memory_space<vmem>>
      %dma_start3A_415 = arith.constant 38400 : i32
      %dma_start3A_416 = tpu.memref_slice %arg4[%add3A_35, %dma_start3A_415] : memref<832x51200xf32, #tpu.memory_space<hbm>> -> memref<1x6400xf32, #tpu.memory_space<hbm>>
      %dma_start3A_417 = tpu.memref_squeeze %dma_start3A_416 : memref<1x6400xf32, #tpu.memory_space<hbm>> -> memref<6400xf32, #tpu.memory_space<hbm>>
      %dma_start3A_418 = arith.constant 38400 : i32
      %dma_start3A_419 = tpu.memref_slice %arg4[%add3A_35, %dma_start3A_418] : memref<832x51200xf32, #tpu.memory_space<hbm>> -> memref<1x6400xf32, #tpu.memory_space<hbm>>
      %dma_start3A_420 = tpu.memref_squeeze %dma_start3A_419 : memref<1x6400xf32, #tpu.memory_space<hbm>> -> memref<6400xf32, #tpu.memory_space<hbm>>
      %dma_start3A_421 = arith.constant 0 : i32
      %dma_start3A_422 = tpu.memref_slice %arg7[%dma_start3A_411, %dma_start3A_421] : memref<2x6400xf32, #tpu.memory_space<vmem>> -> memref<1x6400xf32, #tpu.memory_space<vmem>>
      %dma_start3A_423 = tpu.memref_squeeze %dma_start3A_422 : memref<1x6400xf32, #tpu.memory_space<vmem>> -> memref<6400xf32, #tpu.memory_space<vmem>>
      tpu.enqueue_dma source(%dma_start3A_423 : memref<6400xf32, #tpu.memory_space<vmem>>) target(%dma_start3A_420 : memref<6400xf32, #tpu.memory_space<hbm>>) target_semaphore(%arg10 : memref<!tpu.dma_semaphore, #tpu.memory_space<semaphore_mem>>)
      %dma_wait3A_424 = arith.constant 1 : i32
      %dma_wait3A_425 = arith.constant 0 : i32
      %dma_wait3A_426 = tpu.memref_slice %arg6[%dma_wait3A_424, %dma_wait3A_425] : memref<2x6400xi32, #tpu.memory_space<vmem>> -> memref<1x6400xi32, #tpu.memory_space<vmem>>
      %dma_wait3A_427 = tpu.memref_squeeze %dma_wait3A_426 : memref<1x6400xi32, #tpu.memory_space<vmem>> -> memref<6400xi32, #tpu.memory_space<vmem>>
      %dma_wait3A_428 = arith.constant 44800 : i32
      %dma_wait3A_429 = tpu.memref_slice %arg3[%select_n3A, %dma_wait3A_428] : memref<26x51200xi32, #tpu.memory_space<hbm>> -> memref<1x6400xi32, #tpu.memory_space<hbm>>
      %dma_wait3A_430 = tpu.memref_squeeze %dma_wait3A_429 : memref<1x6400xi32, #tpu.memory_space<hbm>> -> memref<6400xi32, #tpu.memory_space<hbm>>
      %dma_wait3A_431 = arith.constant 0 : i32
      %dma_wait3A_432 = tpu.memref_slice %arg6[%dma_wait3A_424, %dma_wait3A_431] : memref<2x6400xi32, #tpu.memory_space<vmem>> -> memref<1x6400xi32, #tpu.memory_space<vmem>>
      %dma_wait3A_433 = tpu.memref_squeeze %dma_wait3A_432 : memref<1x6400xi32, #tpu.memory_space<vmem>> -> memref<6400xi32, #tpu.memory_space<vmem>>
      %dma_wait3A_434 = arith.constant 44800 : i32
      %dma_wait3A_435 = tpu.memref_slice %arg3[%select_n3A, %dma_wait3A_434] : memref<26x51200xi32, #tpu.memory_space<hbm>> -> memref<1x6400xi32, #tpu.memory_space<hbm>>
      %dma_wait3A_436 = tpu.memref_squeeze %dma_wait3A_435 : memref<1x6400xi32, #tpu.memory_space<hbm>> -> memref<6400xi32, #tpu.memory_space<hbm>>
      tpu.wait_dma2 semaphore(%arg9 : memref<!tpu.dma_semaphore, #tpu.memory_space<semaphore_mem>>) src(%dma_wait3A_436 : memref<6400xi32, #tpu.memory_space<hbm>>) dst(%dma_wait3A_433 : memref<6400xi32, #tpu.memory_space<vmem>>)
      %dma_wait3A_437 = arith.constant 1 : i32
      %dma_wait3A_438 = arith.constant 0 : i32
      %dma_wait3A_439 = tpu.memref_slice %arg7[%dma_wait3A_437, %dma_wait3A_438] : memref<2x6400xf32, #tpu.memory_space<vmem>> -> memref<1x6400xf32, #tpu.memory_space<vmem>>
      %dma_wait3A_440 = tpu.memref_squeeze %dma_wait3A_439 : memref<1x6400xf32, #tpu.memory_space<vmem>> -> memref<6400xf32, #tpu.memory_space<vmem>>
      %dma_wait3A_441 = arith.constant 32000 : i32
      %dma_wait3A_442 = tpu.memref_slice %arg4[%add3A_35, %dma_wait3A_441] : memref<832x51200xf32, #tpu.memory_space<hbm>> -> memref<1x6400xf32, #tpu.memory_space<hbm>>
      %dma_wait3A_443 = tpu.memref_squeeze %dma_wait3A_442 : memref<1x6400xf32, #tpu.memory_space<hbm>> -> memref<6400xf32, #tpu.memory_space<hbm>>
      %dma_wait3A_444 = arith.constant 32000 : i32
      %dma_wait3A_445 = tpu.memref_slice %arg4[%add3A_35, %dma_wait3A_444] : memref<832x51200xf32, #tpu.memory_space<hbm>> -> memref<1x6400xf32, #tpu.memory_space<hbm>>
      %dma_wait3A_446 = tpu.memref_squeeze %dma_wait3A_445 : memref<1x6400xf32, #tpu.memory_space<hbm>> -> memref<6400xf32, #tpu.memory_space<hbm>>
      %dma_wait3A_447 = arith.constant 0 : i32
      %dma_wait3A_448 = tpu.memref_slice %arg7[%dma_wait3A_437, %dma_wait3A_447] : memref<2x6400xf32, #tpu.memory_space<vmem>> -> memref<1x6400xf32, #tpu.memory_space<vmem>>
      %dma_wait3A_449 = tpu.memref_squeeze %dma_wait3A_448 : memref<1x6400xf32, #tpu.memory_space<vmem>> -> memref<6400xf32, #tpu.memory_space<vmem>>
      tpu.wait_dma2 semaphore(%arg11 : memref<!tpu.dma_semaphore, #tpu.memory_space<semaphore_mem>>) src(%dma_wait3A_449 : memref<6400xf32, #tpu.memory_space<vmem>>) dst(%dma_wait3A_446 : memref<6400xf32, #tpu.memory_space<hbm>>)
      %parallel_loop3A_450 = arith.constant 0 : i32
      %parallel_loop3A_451 = arith.constant 6400 : i32
      %parallel_loop3A_452 = arith.constant 16 : i32
      scf.for %parallel_loop3A_466 = %parallel_loop3A_450 to %parallel_loop3A_451 step %parallel_loop3A_452  : i32 {
        %parallel_loop3A_467 = arith.constant 1 : i32
        %parallel_loop3A_468 = arith.index_cast %parallel_loop3A_467 : i32 to index
        %parallel_loop3A_469 = arith.index_cast %parallel_loop3A_466 : i32 to index
        %parallel_loop3A_470 = tpu.vector_load %arg6[%parallel_loop3A_468, %parallel_loop3A_469] {strides = array<i32>} : memref<2x6400xi32, #tpu.memory_space<vmem>>, vector<16xi32>,
        %parallel_loop3A_471 = tpu.vector_load_idx %arg5[%parallel_loop3A_470] : memref<100000xf32, #tpu.memory_space<vmem>>[vector<16xi32>], vector<16xf32>,
        %parallel_loop3A_472 = arith.constant 1 : i32
        %parallel_loop3A_473 = arith.index_cast %parallel_loop3A_472 : i32 to index
        %parallel_loop3A_474 = arith.index_cast %parallel_loop3A_466 : i32 to index
        %parallel_loop3A_475 = tpu.vector_load %arg7[%parallel_loop3A_473, %parallel_loop3A_474] {strides = array<i32>} : memref<2x6400xf32, #tpu.memory_space<vmem>>, vector<16xf32>,
        tpu.vector_store %arg7[%parallel_loop3A_473, %parallel_loop3A_474], %parallel_loop3A_471 {strides = array<i32>} : memref<2x6400xf32, #tpu.memory_space<vmem>>, vector<16xf32>,
      } {sc.loop_unroll_factor = 16 : i64, sc.parallel_access}
      %dma_start3A_453 = arith.constant 1 : i32
      %dma_start3A_454 = arith.constant 0 : i32
      %dma_start3A_455 = tpu.memref_slice %arg7[%dma_start3A_453, %dma_start3A_454] : memref<2x6400xf32, #tpu.memory_space<vmem>> -> memref<1x6400xf32, #tpu.memory_space<vmem>>
      %dma_start3A_456 = tpu.memref_squeeze %dma_start3A_455 : memref<1x6400xf32, #tpu.memory_space<vmem>> -> memref<6400xf32, #tpu.memory_space<vmem>>
      %dma_start3A_457 = arith.constant 44800 : i32
      %dma_start3A_458 = tpu.memref_slice %arg4[%add3A_35, %dma_start3A_457] : memref<832x51200xf32, #tpu.memory_space<hbm>> -> memref<1x6400xf32, #tpu.memory_space<hbm>>
      %dma_start3A_459 = tpu.memref_squeeze %dma_start3A_458 : memref<1x6400xf32, #tpu.memory_space<hbm>> -> memref<6400xf32, #tpu.memory_space<hbm>>
      %dma_start3A_460 = arith.constant 44800 : i32
      %dma_start3A_461 = tpu.memref_slice %arg4[%add3A_35, %dma_start3A_460] : memref<832x51200xf32, #tpu.memory_space<hbm>> -> memref<1x6400xf32, #tpu.memory_space<hbm>>
      %dma_start3A_462 = tpu.memref_squeeze %dma_start3A_461 : memref<1x6400xf32, #tpu.memory_space<hbm>> -> memref<6400xf32, #tpu.memory_space<hbm>>
      %dma_start3A_463 = arith.constant 0 : i32
      %dma_start3A_464 = tpu.memref_slice %arg7[%dma_start3A_453, %dma_start3A_463] : memref<2x6400xf32, #tpu.memory_space<vmem>> -> memref<1x6400xf32, #tpu.memory_space<vmem>>
      %dma_start3A_465 = tpu.memref_squeeze %dma_start3A_464 : memref<1x6400xf32, #tpu.memory_space<vmem>> -> memref<6400xf32, #tpu.memory_space<vmem>>
      tpu.enqueue_dma source(%dma_start3A_465 : memref<6400xf32, #tpu.memory_space<vmem>>) target(%dma_start3A_462 : memref<6400xf32, #tpu.memory_space<hbm>>) target_semaphore(%arg11 : memref<!tpu.dma_semaphore, #tpu.memory_space<semaphore_mem>>)
    }
    %scan3A_6 = arith.constant 26 : i32
    %dma_wait3A = arith.constant 0 : i32
    %dma_wait3A_7 = arith.constant 0 : i32
    %dma_wait3A_8 = arith.constant 0 : i32
    %dma_wait3A_9 = tpu.memref_slice %arg7[%dma_wait3A, %dma_wait3A_8] : memref<2x6400xf32, #tpu.memory_space<vmem>> -> memref<1x6400xf32, #tpu.memory_space<vmem>>
    %dma_wait3A_10 = tpu.memref_squeeze %dma_wait3A_9 : memref<1x6400xf32, #tpu.memory_space<vmem>> -> memref<6400xf32, #tpu.memory_space<vmem>>
    %dma_wait3A_11 = arith.constant 0 : i32
    %dma_wait3A_12 = tpu.memref_slice %arg4[%dma_wait3A_7, %dma_wait3A_11] : memref<832x51200xf32, #tpu.memory_space<hbm>> -> memref<1x6400xf32, #tpu.memory_space<hbm>>
    %dma_wait3A_13 = tpu.memref_squeeze %dma_wait3A_12 : memref<1x6400xf32, #tpu.memory_space<hbm>> -> memref<6400xf32, #tpu.memory_space<hbm>>
    %dma_wait3A_14 = arith.constant 0 : i32
    %dma_wait3A_15 = tpu.memref_slice %arg4[%dma_wait3A_7, %dma_wait3A_14] : memref<832x51200xf32, #tpu.memory_space<hbm>> -> memref<1x6400xf32, #tpu.memory_space<hbm>>
    %dma_wait3A_16 = tpu.memref_squeeze %dma_wait3A_15 : memref<1x6400xf32, #tpu.memory_space<hbm>> -> memref<6400xf32, #tpu.memory_space<hbm>>
    %dma_wait3A_17 = arith.constant 0 : i32
    %dma_wait3A_18 = tpu.memref_slice %arg7[%dma_wait3A, %dma_wait3A_17] : memref<2x6400xf32, #tpu.memory_space<vmem>> -> memref<1x6400xf32, #tpu.memory_space<vmem>>
    %dma_wait3A_19 = tpu.memref_squeeze %dma_wait3A_18 : memref<1x6400xf32, #tpu.memory_space<vmem>> -> memref<6400xf32, #tpu.memory_space<vmem>>
    tpu.wait_dma2 semaphore(%arg10 : memref<!tpu.dma_semaphore, #tpu.memory_space<semaphore_mem>>) src(%dma_wait3A_19 : memref<6400xf32, #tpu.memory_space<vmem>>) dst(%dma_wait3A_16 : memref<6400xf32, #tpu.memory_space<hbm>>)
    %dma_wait3A_20 = arith.constant 1 : i32
    %dma_wait3A_21 = arith.constant 0 : i32
    %dma_wait3A_22 = arith.constant 0 : i32
    %dma_wait3A_23 = tpu.memref_slice %arg7[%dma_wait3A_20, %dma_wait3A_22] : memref<2x6400xf32, #tpu.memory_space<vmem>> -> memref<1x6400xf32, #tpu.memory_space<vmem>>
    %dma_wait3A_24 = tpu.memref_squeeze %dma_wait3A_23 : memref<1x6400xf32, #tpu.memory_space<vmem>> -> memref<6400xf32, #tpu.memory_space<vmem>>
    %dma_wait3A_25 = arith.constant 0 : i32
    %dma_wait3A_26 = tpu.memref_slice %arg4[%dma_wait3A_21, %dma_wait3A_25] : memref<832x51200xf32, #tpu.memory_space<hbm>> -> memref<1x6400xf32, #tpu.memory_space<hbm>>
    %dma_wait3A_27 = tpu.memref_squeeze %dma_wait3A_26 : memref<1x6400xf32, #tpu.memory_space<hbm>> -> memref<6400xf32, #tpu.memory_space<hbm>>
    %dma_wait3A_28 = arith.constant 0 : i32
    %dma_wait3A_29 = tpu.memref_slice %arg4[%dma_wait3A_21, %dma_wait3A_28] : memref<832x51200xf32, #tpu.memory_space<hbm>> -> memref<1x6400xf32, #tpu.memory_space<hbm>>
    %dma_wait3A_30 = tpu.memref_squeeze %dma_wait3A_29 : memref<1x6400xf32, #tpu.memory_space<hbm>> -> memref<6400xf32, #tpu.memory_space<hbm>>
    %dma_wait3A_31 = arith.constant 0 : i32
    %dma_wait3A_32 = tpu.memref_slice %arg7[%dma_wait3A_20, %dma_wait3A_31] : memref<2x6400xf32, #tpu.memory_space<vmem>> -> memref<1x6400xf32, #tpu.memory_space<vmem>>
    %dma_wait3A_33 = tpu.memref_squeeze %dma_wait3A_32 : memref<1x6400xf32, #tpu.memory_space<vmem>> -> memref<6400xf32, #tpu.memory_space<vmem>>
    tpu.wait_dma2 semaphore(%arg11 : memref<!tpu.dma_semaphore, #tpu.memory_space<semaphore_mem>>) src(%dma_wait3A_33 : memref<6400xf32, #tpu.memory_space<vmem>>) dst(%dma_wait3A_30 : memref<6400xf32, #tpu.memory_space<hbm>>)
    return
  }
}

module attributes {stable_mosaic.version = 14 : i64} {
  func.func @_proj_body(%arg0: i32, %arg1: memref<832x1024xf32, #tpu.memory_space<vmem>>, %arg2: memref<26x1024xi32, #tpu.memory_space<vmem>>, %arg3: memref<832x1024xbf16, #tpu.memory_space<vmem>>, %arg4: memref<832x26xbf16, #tpu.memory_space<vmem>>, %arg5: memref<1x1024xf32, #tpu.memory_space<vmem>>, %arg6: memref<1024x1024xf32, #tpu.memory_space<vmem>>) attributes {dimension_semantics = [#tpu.dimension_semantics<arbitrary>], iteration_bounds = array<i64: 50>, scalar_prefetch = 0 : i64, scratch_operands = 0 : i64, tpu.core_type = #tpu.core_type<tc>, window_params = [{transform_indices = @transform_0, window_bounds = array<i64: 832, 1024>}, {transform_indices = @transform_1, window_bounds = array<i64: 26, 1024>}, {pipeline_mode = #tpu.pipeline_mode<synchronous>, transform_indices = @transform_2, window_bounds = array<i64: 832, 1024>}, {pipeline_mode = #tpu.pipeline_mode<synchronous>, transform_indices = @transform_3, window_bounds = array<i64: 832, 26>}, {pipeline_mode = #tpu.pipeline_mode<synchronous>, transform_indices = @transform_4, window_bounds = array<i64: 1, 1024>}, {transform_indices = @transform_5, window_bounds = array<i64: 1024, 1024>}]} {
    %get3A = arith.constant 0 : index
    %get3A_0 = arith.constant 0 : index
    %get3A_1 = vector.load %arg2[%get3A, %get3A_0] : memref<26x1024xi32, #tpu.memory_space<vmem>>, vector<26x1024xi32>
    %ne3A = arith.constant 0 : i32
    %ne3A_2 = vector.broadcast %ne3A : i32 to vector<26x1024xi32>
    %ne3A_3 = arith.cmpi ne, %get3A_1, %ne3A_2 : vector<26x1024xi32>
    %convert_element_type3A = arith.extui %ne3A_3 : vector<26x1024xi1> to vector<26x1024xi32>
    %convert_element_type3A_4 = arith.sitofp %convert_element_type3A : vector<26x1024xi32> to vector<26x1024xf32>
    %convert_element_type3A_5 = arith.truncf %convert_element_type3A_4 : vector<26x1024xf32> to vector<26x1024xbf16>
    %get3A_6 = arith.constant 0 : index
    %get3A_7 = arith.constant 0 : index
    %get3A_8 = vector.load %arg4[%get3A_6, %get3A_7] : memref<832x26xbf16, #tpu.memory_space<vmem>>, vector<832x26xbf16>
    %dot_general3A = arith.constant dense<0.000000e+00> : vector<832x1024xf32>
    %dot_general3A_9 = tpu.matmul %get3A_8, %convert_element_type3A_5, %dot_general3A {dimension_numbers = #tpu.dot_dimension_numbers<[1], [0], [0], [1], [0, 0, 1, 1], [], []>, transpose_lhs_hint = false} : vector<832x26xbf16>, vector<26x1024xbf16>, vector<832x1024xf32> -> vector<832x1024xf32>
    %get3A_10 = arith.constant 0 : index
    %get3A_11 = arith.constant 0 : index
    %get3A_12 = vector.load %arg1[%get3A_10, %get3A_11] : memref<832x1024xf32, #tpu.memory_space<vmem>>, vector<832x1024xf32>
    %mul3A = arith.mulf %get3A_12, %dot_general3A_9 : vector<832x1024xf32>
    %convert_element_type3A_13 = arith.truncf %mul3A : vector<832x1024xf32> to vector<832x1024xbf16>
    %get3A_14 = arith.constant 0 : index
    %get3A_15 = arith.constant 0 : index
    %get3A_16 = vector.load %arg3[%get3A_14, %get3A_15] : memref<832x1024xbf16, #tpu.memory_space<vmem>>, vector<832x1024xbf16>
    %dot_general3A_17 = arith.constant dense<0.000000e+00> : vector<1024x1024xf32>
    %dot_general3A_18 = tpu.matmul %convert_element_type3A_13, %get3A_16, %dot_general3A_17 {dimension_numbers = #tpu.dot_dimension_numbers<[0], [0], [1], [1], [0, 1, 1, 1], [], []>, transpose_lhs_hint = false} : vector<832x1024xbf16>, vector<832x1024xbf16>, vector<1024x1024xf32> -> vector<1024x1024xf32>
    %get3A_19 = arith.constant 0 : index
    %get3A_20 = arith.constant 0 : index
    %get3A_21 = vector.load %arg5[%get3A_19, %get3A_20] : memref<1x1024xf32, #tpu.memory_space<vmem>>, vector<1x1024xf32>
    %add3A = vector.broadcast %get3A_21 : vector<1x1024xf32> to vector<1024x1024xf32>
    %add3A_22 = arith.addf %dot_general3A_18, %add3A : vector<1024x1024xf32>
    %swap3A = arith.constant 0 : index
    %swap3A_23 = arith.constant 0 : index
    %swap3A_24 = vector.load %arg6[%swap3A, %swap3A_23] : memref<1024x1024xf32, #tpu.memory_space<vmem>>, vector<1024x1024xf32>
    tpu.vector_store %arg6[%swap3A, %swap3A_23], %add3A_22 {strides = array<i32>} : memref<1024x1024xf32, #tpu.memory_space<vmem>>, vector<1024x1024xf32>,
    return
  }
  func.func @transform_0(%arg0: i32) -> (i32, i32) {
    %c0_i32 = arith.constant 0 : i32
    %c0_i32_0 = arith.constant 0 : i32
    return %c0_i32, %arg0 : i32, i32
  }
  func.func @transform_1(%arg0: i32) -> (i32, i32) {
    %c0_i32 = arith.constant 0 : i32
    %c0_i32_0 = arith.constant 0 : i32
    return %c0_i32, %arg0 : i32, i32
  }
  func.func @transform_2(%arg0: i32) -> (i32, i32) {
    %c0_i32 = arith.constant 0 : i32
    %c0_i32_0 = arith.constant 0 : i32
    %c0_i32_1 = arith.constant 0 : i32
    return %c0_i32, %c0_i32_0 : i32, i32
  }
  func.func @transform_3(%arg0: i32) -> (i32, i32) {
    %c0_i32 = arith.constant 0 : i32
    %c0_i32_0 = arith.constant 0 : i32
    %c0_i32_1 = arith.constant 0 : i32
    return %c0_i32, %c0_i32_0 : i32, i32
  }
  func.func @transform_4(%arg0: i32) -> (i32, i32) {
    %c0_i32 = arith.constant 0 : i32
    %c0_i32_0 = arith.constant 0 : i32
    %c0_i32_1 = arith.constant 0 : i32
    return %c0_i32, %c0_i32_0 : i32, i32
  }
  func.func @transform_5(%arg0: i32) -> (i32, i32) {
    %c0_i32 = arith.constant 0 : i32
    %c0_i32_0 = arith.constant 0 : i32
    return %arg0, %c0_i32 : i32, i32
  }
}

</mosaic_0001>

<sc_bundles>
// kernel: kernel.4.cloned.1.call-start
scs
__scs_entry_jumppad:
0x0: {  	(pc) =	sbr.rel $0x88, $3  }
0x1: {  	(tag) =	ssettag $0x0;
	lr =	simm.s32 $0x1  }
0x2: {  	[smem:$0x3F9D] =	sst lr;
	_ =	strace $0xD0000000  }
0x3: {  	_ = 	snop  }
0x4: {  	_ = 	snop  }
0x5: {  	_ = 	snop  }
0x6: {  	_ = 	snop  }
0x7: {  	_ = 	snop  }
__scs_overlays_trampoline_lowered:
0x8: {  	[smem:$0x3FAC] =	sst s0  }
0x9: {  	[smem:$0x3FAD] =	sst s1  }
0xa: {  	[smem:$0x3FAE] =	sst s2  }
0xb: {  	[smem:$0x3FAF] =	sst s3  }
0xc: {  	[smem:$0x3FB0] =	sst s4  }
0xd: {  	[smem:$0x3FB1] =	sst s5  }
0xe: {  	[smem:$0x3FB2] =	sst s6  }
0xf: {  	[smem:$0x3FB3] =	sst s7  }
0x10: {  	[smem:$0x3FB4] =	sst s8  }
0x11: {  	[smem:$0x3FB5] =	sst s9;
	s0 =	simm.s32 @!p0 $0x0  }
0x12: {  	s1 =	sld [smem:$0x3F9B];
	s0 =	simm.s32 @p0 $0x1  }
0x13: {  	[smem:$0x3FB6] =	sst s0;
	s0 =	simm.s32 @!p1 $0x0  }
0x14: {  	s2 =	sld [smem:$0x3F9A];
	s0 =	simm.s32 @p1 $0x1  }
0x15: {  	[smem:$0x3FB7] =	sst s0;
	s0 =	simm.s32 @!p2 $0x0  }
0x16: {  	s3 =	sld [smem:$0x3FDB];
	s0 =	simm.s32 @p2 $0x1  }
0x17: {  	s4 =	simm.s32 $0x1BF5;
	[smem:$0x3FB9] =	sst s0  }
0x18: {  	s0 =	sld [smem:$0x3F9C];
	_ =	swait.ge [sflag:s4], $0x0  }
0x19: {  	s7 =	sld [smem:$0x3F9D]  }
0x1a: {  	s8 =	sadd.s32 $0xFFFFE003, lr  }
0x1b: {  	s9 =	sadd.s32 $0xFFFFFEF7, lr;
	s5 =	simm.s32 $0xFFFFFFFF;
	p2 =	slt.u32 s8, $0xFFFFF086  }
0x1c: {  	p1 =	slt.u32 s9, $0xF7A;
	s5 =	simm.s32 @!p2 $0x0  }
0x1d: {  	s5 =	simm.s32 @p1 $0x1;
	p0 =	seq.s32 s7, s2  }
0x1e: {  	s7 =	smul.u32 @!p0 $0xF7A, s2;
	p2 =	seq.s32 @!p0 s5, $0x0  }
0x1f: {  	s9 =	smul.u32 $0xF7A, s1;
	s8 =	simm.s32 @!p0 $0x1BF5;
	p2 =	por !p2, p0  }
0x20: {  	[sflag:s8] =	ssyncset.s32 @!p0 $0xFFFFF086;
	s6 =	sadd.s32 @!p0 s3, s7;
	s7 =	simm.s32 @!p0 $0x108  }
0x21: {  	s3 =	sadd.s32 s3, s9;
	s6 =	sadd.s32 @!p0 $0x88, s6;
	s7 =	simm.s32 @p2 $0x1082  }
0x22: {  	[simem:s7], [sflag:s8] =	dma.local @!p0 [hbm:s6], $0xF7A  }
0x23: {  	s9 =	sor.u32 $0xD0000000, s2;
	s6 =	simm.s32 $0x108;
	_ =	swait.ge @!p0 [sflag:s8], $0x0  }
0x24: {  	s3 =	sadd.s32 $0x88, s3;
	s6 =	simm.s32 @!p1 $0x1082;
	[sflag:s4] =	ssyncset.s32 $0xFFFFF086  }
0x25: {  	[simem:s6], [sflag:s4] =	dma.local [hbm:s3], $0xF7A  }
0x26: {  	[smem:$0x3F9D] =	sst s1;
	(tag) =	ssettag s2;
	_ =	strace s9  }
0x27: {  	s1 =	sld [smem:$0x3FAD]  }
0x28: {  	s2 =	sld [smem:$0x3FAE]  }
0x29: {  	s4 =	sld [smem:$0x3FB0]  }
0x2a: {  	p0 =	seq.s32 s5, $0x0;
	s5 =	sld [smem:$0x3FB1]  }
0x2b: {  	s6 =	sld [smem:$0x3FB2]  }
0x2c: {  	s7 =	sld [smem:$0x3FB3]  }
0x2d: {  	s3 =	simm.s32 $0x108;
	s8 =	sld [smem:$0x3FB4]  }
0x2e: {  	s3 =	simm.s32 @!p0 $0x1082;
	s9 =	sld [smem:$0x3FB5]  }
0x2f: {  	lr =	sadd.s32 s0, s3;
	s0 =	sld [smem:$0x3FAC]  }
0x30: {  	s3 =	sld [smem:$0x3FAF]  }
0x31: {  	[smem:$0x3FB8] =	sst s10  }
0x32: {  	s10 =	sld [smem:$0x3FB6];
	_ =	sdelay $0x3  }
0x33: {  	p0 =	seq.s32 s10, $0x1;
	s10 =	sld [smem:$0x3FB8];
	_ =	sdelay $0x3  }
0x34: {  	[smem:$0x3FB8] =	sst s10  }
0x35: {  	s10 =	sld [smem:$0x3FB7];
	_ =	sdelay $0x3  }
0x36: {  	p1 =	seq.s32 s10, $0x1;
	s10 =	sld [smem:$0x3FB8];
	_ =	sdelay $0x3  }
0x37: {  	[smem:$0x3FB8] =	sst s10  }
0x38: {  	s10 =	sld [smem:$0x3FB9]  }
0x39: {  	_ = 	snop;
	(pc) =	sbr.ind lr, $3  }
0x3a: {  	_ = 	snop  }
0x3b: {  	_ = 	snop  }
0x3c: {  	p2 =	seq.s32 s10, $0x1;
	s10 =	sld [smem:$0x3FB8]  }
0x3d: {  	_ =	shalt  }
0x3e: {  	_ =	shalt  }
0x3f: {  	_ =	shalt  }
0x40: {  	_ =	shalt  }
0x41: {  	_ =	shalt  }
0x42: {  	_ =	shalt  }
0x43: {  	_ =	shalt  }
0x44: {  	_ =	shalt  }
0x45: {  	_ =	shalt  }
0x46: {  	_ =	shalt  }
0x47: {  	_ =	shalt  }
0x48: {  	_ =	shalt  }
0x49: {  	_ =	shalt  }
0x4a: {  	_ =	shalt  }
0x4b: {  	_ =	shalt  }
0x4c: {  	_ =	shalt  }
0x4d: {  	_ =	shalt  }
0x4e: {  	_ =	shalt  }
0x4f: {  	_ =	shalt  }
0x50: {  	_ =	shalt  }
0x51: {  	_ =	shalt  }
0x52: {  	_ =	shalt  }
0x53: {  	_ =	shalt  }
0x54: {  	_ =	shalt  }
0x55: {  	_ =	shalt  }
0x56: {  	_ =	shalt  }
0x57: {  	_ =	shalt  }
0x58: {  	_ =	shalt  }
0x59: {  	_ =	shalt  }
0x5a: {  	_ =	shalt  }
0x5b: {  	_ =	shalt  }
0x5c: {  	_ =	shalt  }
0x5d: {  	_ =	shalt  }
0x5e: {  	_ =	shalt  }
0x5f: {  	_ =	shalt  }
0x60: {  	_ =	shalt  }
0x61: {  	_ =	shalt  }
0x62: {  	_ =	shalt  }
0x63: {  	_ =	shalt  }
0x64: {  	_ =	shalt  }
0x65: {  	_ =	shalt  }
0x66: {  	_ =	shalt  }
0x67: {  	_ =	shalt  }
0x68: {  	_ =	shalt  }
0x69: {  	_ =	shalt  }
0x6a: {  	_ =	shalt  }
0x6b: {  	_ =	shalt  }
0x6c: {  	_ =	shalt  }
0x6d: {  	_ =	shalt  }
0x6e: {  	_ =	shalt  }
0x6f: {  	_ =	shalt  }
0x70: {  	_ =	shalt  }
0x71: {  	_ =	shalt  }
0x72: {  	_ =	shalt  }
0x73: {  	_ =	shalt  }
0x74: {  	_ =	shalt  }
0x75: {  	_ =	shalt  }
0x76: {  	_ =	shalt  }
0x77: {  	_ =	shalt  }
0x78: {  	_ =	shalt  }
0x79: {  	_ =	shalt  }
0x7a: {  	_ =	shalt  }
0x7b: {  	_ =	shalt  }
0x7c: {  	_ =	shalt  }
0x7d: {  	_ =	shalt  }
0x7e: {  	_ =	shalt  }
0x7f: {  	_ =	shalt  }
0x80: {  	_ =	shalt  }
0x81: {  	_ =	shalt  }
0x82: {  	_ =	shalt  }
0x83: {  	_ =	shalt  }
0x84: {  	_ =	shalt  }
0x85: {  	_ =	shalt  }
0x86: {  	_ =	shalt  }
0x87: {  	_ =	shalt  }
.Lfunc_end0:
.L_simem_size_0:
called_computation_lowered:
.L_overlay_start_0:
0x88: {  	s2 =	sld [smem:$0x3FD9]  }
0x89: {  	s3 =	sld [smem:$0x3FFE];
	_ =	sdelay $0x1  }
0x8a: {  	s1 =	srdreg.scid  }
0x8b: {  	s0 =	sand.u32 $0x1, s1  }
0x8c: {  	s17 =	sshll.u32 s0, $0xA;
	s2 =	sadd.s32 s3, s2  }
0x8d: {  	s2 =	sadd.s32 s2, s17  }
0x8e: {  	[smem:$0x3FC4] =	sst s2  }
0x8f: {  	_ = 	snop  }
0x90: {  	s2 =	sld [smem:$0x3FC8]  }
0x91: {  	s18 =	sld [smem:$0x3FD0];
	(tm) =	ssettm $0x1  }
0x92: {  	s4 =	sld [smem:$0x3FFB];
	_ =	sdelay $0x3  }
0x93: {  	_ =	strace s4  }
0x94: {  	s4 =	sld [smem:$0x3FFC];
	_ =	sdelay $0x3  }
0x95: {  	_ =	strace s4  }
0x96: {  	s4 =	sld [smem:$0x3FFD];
	_ =	sdelay $0x3  }
0x97: {  	_ =	strace s4  }
0x98: {  	_ =	strace $0x8FFFFFFF  }
0x99: {  	s19 =	sld [smem:$0x3FDB];
	_ =	sdelay $0x1  }
0x9a: {  	s5 =	simm.s32 $_scs_section_size  }
0x9b: {  	s6 =	simm.s32 $_size__tile_overlayer_lowered;
	s7 =	simm.s32 $_tile_overlayer_lowered  }
0x9c: {  	s22 =	simm.s32 $0x1BFF;
	s21 =	sshll.u32 s7, $0x1;
	s4 =	sadd.s32 s5, s19  }
0x9d: {  	s8 =	simm.s32 $0x0;
	s20 =	sshll.u32 s6, $0x1;
	s6 =	sadd.s32 s21, s4  }
0x9e: {  	[timem:s8], [sflag:s22] =	dma.local [hbm:s6], s20  }
0x9f: {  	_ =	swait.ge [sflag:s22], s20  }
0xa0: {  	s5 =	ssub.s32 $0x0, s20;
	[sflag:s22] =	ssyncset.done $0x0  }
0xa1: {  	[sflag:s22] =	ssyncadd.s32 s5;
	_ =	sdelay $0x1  }
0xa2: {  	s23 =	simm.s32 $0x1B8B  }
0xa3: {  	_ =	swait.ge [sflag:s23], $0x1  }
0xa4: {  	[sflag:s23] =	ssyncset.done $0x0  }
0xa5: {  	s25 =	simm.s32 $0x1B8E;
	s24 =	sld [smem:$0x3FFE];
	[sflag:s23] =	ssyncadd.s32 $0xFFFFFFFF  }
0xa6: {  	s26 =	simm.s32 $execute0_lowered;
	[smem:$0x3FD2] =	sst s25  }
0xa7: {  	s6 =	sshll.u32 s26, $0x1;
	_ =	strace $0x80000046;
	[dreg:$0x1] =	wrdreg $0xFFFFFFFF  }
0xa8: {  	s28 =	simm.s32 $_size_execute0_lowered;
	s4 =	sadd.s32 s4, s6;
	[dreg:$0x0] =	wrdreg $0x0  }
0xa9: {  	s6 =	sshll.u32 s28, $0x1;
	[dreg:$0x2] =	wrdreg s4  }
0xaa: {  	[dreg:$0x3] =	wrdreg s6  }
0xab: {  	[dreg:$0x4] =	wrdreg $0xC0  }
0xac: {  	_ =	task [dreg:s8], $0x5FFFF  }
0xad: {  	[dreg:$0x1] =	wrdreg $0xFFFFFFFF  }
0xae: {  	[dreg:$0x0] =	wrdreg $0x60  }
0xaf: {  	[dreg:$0x2] =	wrdreg s2  }
0xb0: {  	[dreg:$0x3] =	wrdreg s18  }
0xb1: {  	[dreg:$0x4] =	wrdreg s24  }
0xb2: {  	[dreg:$0x5] =	wrdreg $0x9  }
0xb3: {  	_ =	task.clear_ibuf [dreg:s8], $0x6FFFF;
	_ =	strace $0x90000046  }
0xb4: {  	s29 =	simm.s32 $0x9;
	_ =	strace $0x80000048  }
0xb5: {  	_ =	swait.ge [sflag:s29], $0x1  }
0xb6: {  	[sflag:s29] =	ssyncadd.s32 $0xFFFFFFFF  }
0xb7: {  	_ =	strace $0x90000048  }
0xb8: {  	_ =	sfence  }
0xb9: {  	s30 =	sld [smem:$0x0];
	_ =	sdelay $0x2  }
0xba: {  	s31 =	sshll.u32 s1, $0xD;
	s1 =	sshrl.u32 s1, $0x2  }
0xbb: {  	s3 =	sand.u32 $0x4000, s31;
	s1 =	sadd.s32 s1, s30  }
0xbc: {  	s0 =	sor.u32 s3, s0;
	s1 =	sshll.u32 s1, $0x11  }
0xbd: {  	s0 =	sor.u32 s1, s0  }
0xbe: {  	s0 =	sadd.s32 $0x8F2B, s0  }
0xbf: {  	[sflag:s0] =	ssyncadd.remote.s32 $0x1  }
0xc0: {  	_ =	sfence.sel $0xFFFF  }
0xc1: {  	[dreg:$0x0] =	wrdreg $0xFFFFFFFF;
	(pc) =	sbr.abs _section_cstart, $3  }
0xc2: {  	[dreg:$0x1] =	wrdreg $0xFFFFFFFF  }
0xc3: {  	_ =	task.clear_ibuf [dreg:s8], $0x2FFFF;
	_ =	strace $0x9FFFFFFF  }
0xc4: {  	(tm) =	ssettm $0x7FFFFFFF  }
0xc5: {  	_ =	shalt  }
tec
execute0_lowered:
.L_overlay_start_1:
0x0: {  	(tag) =	ssettag $0x1  }
0x1: {  	s1 =	rddreg [dreg:$0x0]  }
0x2: {  	s2 =	rddreg [dreg:$0x1]  }
0x3: {  	s5 =	rddreg [dreg:$0x2]  }
0x4: {  	s0 =	rddreg [dreg:$0x3];
	s6 =	srdreg.scid  }
0x5: {  	s4 =	simm.s32 $0x0;
	s3 =	stileid.u32;
	s10 =	simm.s32 $0x5  }
0x6: {  	s11 =	simm.s32 $0x1;
	s12 =	simm.s32 $0x2;
	s13 =	simm.s32 $0x3  }
0x7: {  	s14 =	simm.s32 $0x4;
	s15 =	simm.s32 $0x0;
	s6 =	sand.u32 $0x1, s6  }
0x8: {  	[smem:$0x7FF] =	sst s4;
	s8 =	sshll.u32 s3, $0x1;
	s7 =	ssub.s32 $0x2, s6  }
0x9: {  	s5 =	sadd.s32 $0xA00, s5;
	_ =	strace $0x80000047;
	s9 =	sshrl.u32 s7, $0x1  }
0xa: {  	s6 =	sor.u32 s6, s8;
	s8 =	simm.s32 $0x80;
	s7 =	ssub.s32 s7, s9  }
0xb: {  	s6 =	smul.u32 $0x1A, s6;
	s9 =	simm.s32 $0x400;
	s7 =	smax.u32 s7, $0x1  }
.LBB2_1:
0xc: {  	s16 =	simm.s32 $0x0  }
.LBB2_2:
0xd: {  	s18 =	sadd.s32 s6, s16  }
0xe: {  	s17 =	sshrl.u32 s18, $0x8  }
0xf: {  	s19 =	sshll.u32 s18, $0x2;
	s17 =	smul.u32 $0x64000, s17  }
0x10: {  	s20 =	sand.u32 $0x380, s19  }
0x11: {  	s19 =	sor.u32 s20, s17  }
0x12: {  	s19 =	sshrl.u32 s19, $0x3  }
0x13: {  	s21 =	simm.s32 $0x18700;
	s19 =	sadd.s32 s2, s19  }
0x14: {  	s22 =	simm.s32 $0x80;
	s23 =	simm.s32 $0x18800;
	s24 =	sadd.s32 $0x0, s19  }
.LBB2_3:
0x15: {  	[tilespmem:s21], [sflag:$0x1] =	stream.linear.gather [hbm4b:s24+s4], $0x80, $0x38;
	[tilespmem:$0x1EB00] =	vst v63  }
0x16: {  	s24 =	smov.u32 s22;
	s21 =	smov.u32 s23;
	p0 =	sne.s32 s22, $0x1880  }
.Ltmp0:
0x17: {  	s22 =	sadd.s32 $0x80, s22;
	(pc) =	sbr.rel @p0 .LBB2_3-.Ltmp0, $2  }
0x18: {  	_ =	sdelay $0x2  }
0x19: {  	s23 =	sadd.s32 $0x100, s23;
	s24 =	sadd.s32 s24, s19  }
0x1a: {  	[tilespmem:s21], [sflag:$0x1] =	stream.linear.gather [hbm4b:s24+s4], $0x80, $0x38;
	[tilespmem:$0x1EB00] =	vst v63  }
0x1b: {  	s19 =	sshrl.u32 s18, $0x3  }
0x1c: {  	s30 =	sshll.u32 s18, $0x7;
	s31 =	smul.u32 $0xC3800, s19  }
0x1d: {  	s18 =	sand.u32 $0x380, s30  }
0x1e: {  	s21 =	sor.u32 s18, s31  }
0x1f: {  	s21 =	sshrl.u32 s21, $0x3  }
0x20: {  	s21 =	sadd.s32 s1, s21  }
0x21: {  	[tilespmem:s4], [sflag:$0x5] =	stream.strided.gather [hbm4b:s21+s8], $0x18700, s9, s8, $0x38;
	[tilespmem:$0x1EB00] =	vst v63  }
0x22: {  	_ =	swait.ge [sflag:s10], $0x18700  }
0x23: {  	p0 =	seq.s32 s16, $0x0;
	[sflag:s10] =	ssyncset.done $0x0  }
0x24: {  	s21 =	simm.s32 @!p0 $0x3;
	[sflag:s10] =	ssyncadd.s32 $0xFFFE7900  }
0x25: {  	_ =	swait.ge @!p0 [sflag:s21], $0x1900  }
0x26: {  	s17 =	sadd.s32 s20, s17;
	[sflag:s21] =	ssyncset.done @!p0 $0x0  }
0x27: {  	s20 =	sadd.s32 $0xC800, s17;
	[sflag:s21] =	ssyncadd.s32 @!p0 $0xFFFFE700;
	s21 =	simm.s32 @!p0 $0x4  }
0x28: {  	s22 =	simm.s32 $0x80;
	s20 =	sshrl.u32 s20, $0x3;
	_ =	swait.ge @!p0 [sflag:s21], $0x1900  }
0x29: {  	s23 =	simm.s32 $0x18880;
	s20 =	sadd.s32 s2, s20;
	[sflag:s21] =	ssyncset.done @!p0 $0x0  }
0x2a: {  	s24 =	sadd.s32 $0x0, s20;
	[sflag:s21] =	ssyncadd.s32 @!p0 $0xFFFFE700;
	s21 =	simm.s32 $0x18780  }
.LBB2_5:
0x2b: {  	[tilespmem:s21], [sflag:$0x2] =	stream.linear.gather [hbm4b:s24+s4], $0x80, $0x38;
	[tilespmem:$0x1EB00] =	vst v63  }
0x2c: {  	s24 =	smov.u32 s22;
	s21 =	smov.u32 s23;
	p0 =	sne.s32 s22, $0x1880  }
.Ltmp1:
0x2d: {  	s22 =	sadd.s32 $0x80, s22;
	(pc) =	sbr.rel @p0 .LBB2_5-.Ltmp1, $2  }
0x2e: {  	_ =	sdelay $0x2  }
0x2f: {  	s23 =	sadd.s32 $0x100, s23;
	s24 =	sadd.s32 s24, s20  }
0x30: {  	[tilespmem:s21], [sflag:$0x2] =	stream.linear.gather [hbm4b:s24+s4], $0x80, $0x38;
	[tilespmem:$0x1EB00] =	vst v63  }
0x31: {  	_ =	swait.ge [sflag:s11], $0x1900  }
0x32: {  	[sflag:s11] =	ssyncset.done $0x0  }
0x33: {  	s20 =	simm.s32 $0x18800;
	[sflag:s11] =	ssyncadd.s32 $0xFFFFE700  }
0x34: {  	v0 =	vld [tilespmem:s20+$0x70]  }
0x35: {  	v1 =	vld [tilespmem:s20+$0xFFFFFF10]  }
0x36: {  	v2 =	vld [tilespmem:s20+$0xFFFFFF20]  }
0x37: {  	v3 =	vld [tilespmem:s20+$0xFFFFFF30]  }
0x38: {  	v4 =	vld [tilespmem:s20+$0xFFFFFF40]  }
0x39: {  	v5 =	vld [tilespmem:s20+$0xFFFFFF50]  }
0x3a: {  	v6 =	vld [tilespmem:s20+$0xFFFFFF60]  }
0x3b: {  	v7 =	vld [tilespmem:s20+$0xFFFFFF70]  }
0x3c: {  	v8 =	vld [tilespmem:s20+$0x0]  }
0x3d: {  	v9 =	vld [tilespmem:s20+$0x10]  }
0x3e: {  	v10 =	vld [tilespmem:s20+$0x20]  }
0x3f: {  	v11 =	vld [tilespmem:s20+$0x30]  }
0x40: {  	v12 =	vld [tilespmem:s20+$0x40]  }
0x41: {  	v13 =	vld [tilespmem:s20+$0x50]  }
0x42: {  	v14 =	vld [tilespmem:s20+$0x60]  }
0x43: {  	v15 =	vld [tilespmem:s20+$0xFFFFFF00]  }
0x44: {  	v0 =	vld.idx.msk [tilespmem:v0+s4+$0x0], $0xffff  }
0x45: {  	v1 =	vld.idx.msk [tilespmem:v1+s4+$0x0], $0xffff  }
0x46: {  	v2 =	vld.idx.msk [tilespmem:v2+s4+$0x0], $0xffff  }
0x47: {  	v3 =	vld.idx.msk [tilespmem:v3+s4+$0x0], $0xffff  }
0x48: {  	v4 =	vld.idx.msk [tilespmem:v4+s4+$0x0], $0xffff  }
0x49: {  	s20 =	simm.s32 $0x1BA00;
	v5 =	vld.idx.msk [tilespmem:v5+s4+$0x0], $0xffff  }
0x4a: {  	v6 =	vld.idx.msk [tilespmem:v6+s4+$0x0], $0xffff;
	[tilespmem:s20+$0x70] =	vst v0  }
0x4b: {  	v7 =	vld.idx.msk [tilespmem:v7+s4+$0x0], $0xffff;
	[tilespmem:s20+$0xFFFFFF10] =	vst v1  }
0x4c: {  	v15 =	vld.idx.msk [tilespmem:v15+s4+$0x0], $0xffff;
	[tilespmem:s20+$0xFFFFFF20] =	vst v2  }
0x4d: {  	v8 =	vld.idx.msk [tilespmem:v8+s4+$0x0], $0xffff;
	[tilespmem:s20+$0xFFFFFF30] =	vst v3  }
0x4e: {  	[tilespmem:s20+$0xFFFFFF40] =	vst v4;
	v1 =	vld.idx.msk [tilespmem:v9+s4+$0x0], $0xffff  }
0x4f: {  	[tilespmem:s20+$0xFFFFFF50] =	vst v5;
	v0 =	vld.idx.msk [tilespmem:v10+s4+$0x0], $0xffff  }
0x50: {  	[tilespmem:s20+$0xFFFFFF60] =	vst v6;
	v2 =	vld.idx.msk [tilespmem:v11+s4+$0x0], $0xffff  }
0x51: {  	[tilespmem:s20+$0xFFFFFF70] =	vst v7;
	v3 =	vld.idx.msk [tilespmem:v12+s4+$0x0], $0xffff  }
0x52: {  	[tilespmem:s20+$0xFFFFFF00] =	vst v15;
	v4 =	vld.idx.msk [tilespmem:v13+s4+$0x0], $0xffff  }
0x53: {  	s21 =	simm.s32 $0x0;
	s22 =	simm.s32 $0x18A00;
	[tilespmem:s20+$0x0] =	vst v8;
	v5 =	vld.idx.msk [tilespmem:v14+s4+$0x0], $0xffff  }
.LBB2_7:
0x54: {  	v6 =	vld [tilespmem:s22+$0x70];
	s21 =	sadd.s32 $0x100, s21;
	[tilespmem:s20+$0x10] =	vst v1  }
0x55: {  	v1 =	vld [tilespmem:s22+$0xFFFFFF10];
	p0 =	slt.u32 s21, $0x1800;
	[tilespmem:s20+$0x20] =	vst v0  }
0x56: {  	v0 =	vld [tilespmem:s22+$0xFFFFFF20];
	[tilespmem:s20+$0x30] =	vst v2  }
0x57: {  	v2 =	vld [tilespmem:s22+$0xFFFFFF30];
	[tilespmem:s20+$0x40] =	vst v3  }
0x58: {  	v3 =	vld [tilespmem:s22+$0xFFFFFF40];
	[tilespmem:s20+$0x50] =	vst v4  }
0x59: {  	v4 =	vld [tilespmem:s22+$0xFFFFFF50];
	[tilespmem:s20+$0x60] =	vst v5  }
0x5a: {  	v5 =	vld [tilespmem:s22+$0xFFFFFF60]  }
0x5b: {  	v7 =	vld [tilespmem:s22+$0xFFFFFF70]  }
0x5c: {  	v6 =	vld.idx.msk [tilespmem:v6+s4+$0x0], $0xffff  }
0x5d: {  	v8 =	vld [tilespmem:s22+$0x0]  }
0x5e: {  	v9 =	vld [tilespmem:s22+$0x10]  }
0x5f: {  	v10 =	vld [tilespmem:s22+$0x20]  }
0x60: {  	v11 =	vld [tilespmem:s22+$0x30]  }
0x61: {  	s20 =	sadd.s32 $0x200, s20;
	v12 =	vld [tilespmem:s22+$0x40]  }
0x62: {  	v13 =	vld [tilespmem:s22+$0x50];
	[tilespmem:s20+$0x70] =	vst v6  }
0x63: {  	v6 =	vld [tilespmem:s22+$0x60]  }
0x64: {  	v14 =	vld [tilespmem:s22+$0xFFFFFF00]  }
0x65: {  	v1 =	vld.idx.msk [tilespmem:v1+s4+$0x0], $0xffff  }
0x66: {  	v0 =	vld.idx.msk [tilespmem:v0+s4+$0x0], $0xffff  }
0x67: {  	v2 =	vld.idx.msk [tilespmem:v2+s4+$0x0], $0xffff  }
0x68: {  	v3 =	vld.idx.msk [tilespmem:v3+s4+$0x0], $0xffff  }
0x69: {  	v4 =	vld.idx.msk [tilespmem:v4+s4+$0x0], $0xffff  }
0x6a: {  	v5 =	vld.idx.msk [tilespmem:v5+s4+$0x0], $0xffff  }
0x6b: {  	[tilespmem:s20+$0xFFFFFF10] =	vst v1;
	v7 =	vld.idx.msk [tilespmem:v7+s4+$0x0], $0xffff  }
0x6c: {  	v14 =	vld.idx.msk [tilespmem:v14+s4+$0x0], $0xffff;
	[tilespmem:s20+$0xFFFFFF20] =	vst v0  }
0x6d: {  	[tilespmem:s20+$0xFFFFFF30] =	vst v2;
	v8 =	vld.idx.msk [tilespmem:v8+s4+$0x0], $0xffff  }
0x6e: {  	[tilespmem:s20+$0xFFFFFF40] =	vst v3;
	v1 =	vld.idx.msk [tilespmem:v9+s4+$0x0], $0xffff  }
.Ltmp2:
0x6f: {  	[tilespmem:s20+$0xFFFFFF50] =	vst v4;
	v0 =	vld.idx.msk [tilespmem:v10+s4+$0x0], $0xffff;
	(pc) =	sbr.rel @p0 .LBB2_7-.Ltmp2, $4  }
0x70: {  	[tilespmem:s20+$0xFFFFFF60] =	vst v5;
	v2 =	vld.idx.msk [tilespmem:v11+s4+$0x0], $0xffff  }
0x71: {  	[tilespmem:s20+$0xFFFFFF70] =	vst v7;
	v3 =	vld.idx.msk [tilespmem:v12+s4+$0x0], $0xffff  }
0x72: {  	[tilespmem:s20+$0xFFFFFF00] =	vst v14;
	v4 =	vld.idx.msk [tilespmem:v13+s4+$0x0], $0xffff  }
0x73: {  	s22 =	sadd.s32 $0x200, s22;
	[tilespmem:s20+$0x0] =	vst v8;
	v5 =	vld.idx.msk [tilespmem:v6+s4+$0x0], $0xffff  }
0x74: {  	[tilespmem:s20+$0x10] =	vst v1;
	s19 =	smul.u32 $0x64000, s19  }
0x75: {  	[tilespmem:s20+$0x20] =	vst v0  }
0x76: {  	[tilespmem:s20+$0x30] =	vst v2;
	s21 =	sor.u32 s18, s19  }
0x77: {  	[tilespmem:s20+$0x40] =	vst v3;
	s21 =	sshrl.u32 s21, $0x3  }
0x78: {  	s22 =	simm.s32 $0x1B900;
	[tilespmem:s20+$0x50] =	vst v4;
	s21 =	sadd.s32 s5, s21  }
0x79: {  	s23 =	simm.s32 $0x1BA00;
	[tilespmem:s20+$0x60] =	vst v5;
	s20 =	simm.s32 $0x80;
	s24 =	sadd.s32 $0x0, s21  }
.LBB2_9:
0x7a: {  	[hbm4b:s24+s4] =	stream.linear.scatter [tilespmem:s22], [sflag:$0x3], $0x80, $0x38;
	[tilespmem:$0x1EB00] =	vst v63  }
0x7b: {  	s24 =	smov.u32 s20;
	s22 =	smov.u32 s23;
	p0 =	sne.s32 s20, $0x1880  }
.Ltmp3:
0x7c: {  	s20 =	sadd.s32 $0x80, s20;
	(pc) =	sbr.rel @p0 .LBB2_9-.Ltmp3, $2  }
0x7d: {  	_ =	sdelay $0x2  }
0x7e: {  	s23 =	sadd.s32 $0x100, s23;
	s24 =	sadd.s32 s24, s21  }
0x7f: {  	[hbm4b:s24+s4] =	stream.linear.scatter [tilespmem:s22], [sflag:$0x3], $0x80, $0x38;
	[tilespmem:$0x1EB00] =	vst v63  }
0x80: {  	s20 =	sadd.s32 $0x19000, s17  }
0x81: {  	s20 =	sshrl.u32 s20, $0x3  }
0x82: {  	s21 =	simm.s32 $0x18700;
	s20 =	sadd.s32 s2, s20  }
0x83: {  	s22 =	simm.s32 $0x80;
	s23 =	simm.s32 $0x18800;
	s24 =	sadd.s32 $0x0, s20  }
.LBB2_11:
0x84: {  	[tilespmem:s21], [sflag:$0x1] =	stream.linear.gather [hbm4b:s24+s4], $0x80, $0x38;
	[tilespmem:$0x1EB00] =	vst v63  }
0x85: {  	s24 =	smov.u32 s22;
	s21 =	smov.u32 s23;
	p0 =	sne.s32 s22, $0x1880  }
.Ltmp4:
0x86: {  	s22 =	sadd.s32 $0x80, s22;
	(pc) =	sbr.rel @p0 .LBB2_11-.Ltmp4, $2  }
0x87: {  	_ =	sdelay $0x2  }
0x88: {  	s23 =	sadd.s32 $0x100, s23;
	s24 =	sadd.s32 s24, s20  }
0x89: {  	[tilespmem:s21], [sflag:$0x1] =	stream.linear.gather [hbm4b:s24+s4], $0x80, $0x38;
	[tilespmem:$0x1EB00] =	vst v63  }
0x8a: {  	_ =	swait.ge [sflag:s12], $0x1900  }
0x8b: {  	[sflag:s12] =	ssyncset.done $0x0  }
0x8c: {  	s20 =	simm.s32 $0x18880;
	[sflag:s12] =	ssyncadd.s32 $0xFFFFE700  }
0x8d: {  	v0 =	vld [tilespmem:s20+$0x70]  }
0x8e: {  	v1 =	vld [tilespmem:s20+$0xFFFFFF10]  }
0x8f: {  	v2 =	vld [tilespmem:s20+$0xFFFFFF20]  }
0x90: {  	v3 =	vld [tilespmem:s20+$0xFFFFFF30]  }
0x91: {  	v4 =	vld [tilespmem:s20+$0xFFFFFF40]  }
0x92: {  	v5 =	vld [tilespmem:s20+$0xFFFFFF50]  }
0x93: {  	v6 =	vld [tilespmem:s20+$0xFFFFFF60]  }
0x94: {  	v7 =	vld [tilespmem:s20+$0xFFFFFF70]  }
0x95: {  	v8 =	vld [tilespmem:s20+$0x0]  }
0x96: {  	v9 =	vld [tilespmem:s20+$0x10]  }
0x97: {  	v10 =	vld [tilespmem:s20+$0x20]  }
0x98: {  	v11 =	vld [tilespmem:s20+$0x30]  }
0x99: {  	v12 =	vld [tilespmem:s20+$0x40]  }
0x9a: {  	v13 =	vld [tilespmem:s20+$0x50]  }
0x9b: {  	v14 =	vld [tilespmem:s20+$0x60]  }
0x9c: {  	v15 =	vld [tilespmem:s20+$0xFFFFFF00]  }
0x9d: {  	v0 =	vld.idx.msk [tilespmem:v0+s4+$0x0], $0xffff  }
0x9e: {  	v1 =	vld.idx.msk [tilespmem:v1+s4+$0x0], $0xffff  }
0x9f: {  	v2 =	vld.idx.msk [tilespmem:v2+s4+$0x0], $0xffff  }
0xa0: {  	v3 =	vld.idx.msk [tilespmem:v3+s4+$0x0], $0xffff  }
0xa1: {  	v4 =	vld.idx.msk [tilespmem:v4+s4+$0x0], $0xffff  }
0xa2: {  	s20 =	simm.s32 $0x1BA80;
	v5 =	vld.idx.msk [tilespmem:v5+s4+$0x0], $0xffff  }
0xa3: {  	v6 =	vld.idx.msk [tilespmem:v6+s4+$0x0], $0xffff;
	[tilespmem:s20+$0x70] =	vst v0  }
0xa4: {  	v7 =	vld.idx.msk [tilespmem:v7+s4+$0x0], $0xffff;
	[tilespmem:s20+$0xFFFFFF10] =	vst v1  }
0xa5: {  	v15 =	vld.idx.msk [tilespmem:v15+s4+$0x0], $0xffff;
	[tilespmem:s20+$0xFFFFFF20] =	vst v2  }
0xa6: {  	v8 =	vld.idx.msk [tilespmem:v8+s4+$0x0], $0xffff;
	[tilespmem:s20+$0xFFFFFF30] =	vst v3  }
0xa7: {  	[tilespmem:s20+$0xFFFFFF40] =	vst v4;
	v0 =	vld.idx.msk [tilespmem:v9+s4+$0x0], $0xffff  }
0xa8: {  	[tilespmem:s20+$0xFFFFFF50] =	vst v5;
	v1 =	vld.idx.msk [tilespmem:v10+s4+$0x0], $0xffff  }
0xa9: {  	[tilespmem:s20+$0xFFFFFF60] =	vst v6;
	v2 =	vld.idx.msk [tilespmem:v11+s4+$0x0], $0xffff  }
0xaa: {  	[tilespmem:s20+$0xFFFFFF70] =	vst v7;
	v3 =	vld.idx.msk [tilespmem:v12+s4+$0x0], $0xffff  }
0xab: {  	[tilespmem:s20+$0xFFFFFF00] =	vst v15;
	v4 =	vld.idx.msk [tilespmem:v13+s4+$0x0], $0xffff  }
0xac: {  	s21 =	simm.s32 $0x0;
	s22 =	simm.s32 $0x18A80;
	[tilespmem:s20+$0x0] =	vst v8;
	v5 =	vld.idx.msk [tilespmem:v14+s4+$0x0], $0xffff  }
.LBB2_13:
0xad: {  	v6 =	vld [tilespmem:s22+$0x70];
	s21 =	sadd.s32 $0x100, s21;
	[tilespmem:s20+$0x10] =	vst v0  }
0xae: {  	v0 =	vld [tilespmem:s22+$0xFFFFFF10];
	p0 =	slt.u32 s21, $0x1800;
	[tilespmem:s20+$0x20] =	vst v1  }
0xaf: {  	v1 =	vld [tilespmem:s22+$0xFFFFFF20];
	[tilespmem:s20+$0x30] =	vst v2  }
0xb0: {  	v2 =	vld [tilespmem:s22+$0xFFFFFF30];
	[tilespmem:s20+$0x40] =	vst v3  }
0xb1: {  	v3 =	vld [tilespmem:s22+$0xFFFFFF40];
	[tilespmem:s20+$0x50] =	vst v4  }
0xb2: {  	v4 =	vld [tilespmem:s22+$0xFFFFFF50];
	[tilespmem:s20+$0x60] =	vst v5  }
0xb3: {  	v5 =	vld [tilespmem:s22+$0xFFFFFF60]  }
0xb4: {  	v7 =	vld [tilespmem:s22+$0xFFFFFF70]  }
0xb5: {  	v6 =	vld.idx.msk [tilespmem:v6+s4+$0x0], $0xffff  }
0xb6: {  	v8 =	vld [tilespmem:s22+$0x0]  }
0xb7: {  	v9 =	vld [tilespmem:s22+$0x10]  }
0xb8: {  	v10 =	vld [tilespmem:s22+$0x20]  }
0xb9: {  	v11 =	vld [tilespmem:s22+$0x30]  }
0xba: {  	s20 =	sadd.s32 $0x200, s20;
	v12 =	vld [tilespmem:s22+$0x40]  }
0xbb: {  	v13 =	vld [tilespmem:s22+$0x50];
	[tilespmem:s20+$0x70] =	vst v6  }
0xbc: {  	v6 =	vld [tilespmem:s22+$0x60]  }
0xbd: {  	v14 =	vld [tilespmem:s22+$0xFFFFFF00]  }
0xbe: {  	v0 =	vld.idx.msk [tilespmem:v0+s4+$0x0], $0xffff  }
0xbf: {  	v1 =	vld.idx.msk [tilespmem:v1+s4+$0x0], $0xffff  }
0xc0: {  	v2 =	vld.idx.msk [tilespmem:v2+s4+$0x0], $0xffff  }
0xc1: {  	v3 =	vld.idx.msk [tilespmem:v3+s4+$0x0], $0xffff  }
0xc2: {  	v4 =	vld.idx.msk [tilespmem:v4+s4+$0x0], $0xffff  }
0xc3: {  	v5 =	vld.idx.msk [tilespmem:v5+s4+$0x0], $0xffff  }
0xc4: {  	[tilespmem:s20+$0xFFFFFF10] =	vst v0;
	v7 =	vld.idx.msk [tilespmem:v7+s4+$0x0], $0xffff  }
0xc5: {  	v14 =	vld.idx.msk [tilespmem:v14+s4+$0x0], $0xffff;
	[tilespmem:s20+$0xFFFFFF20] =	vst v1  }
0xc6: {  	[tilespmem:s20+$0xFFFFFF30] =	vst v2;
	v8 =	vld.idx.msk [tilespmem:v8+s4+$0x0], $0xffff  }
0xc7: {  	[tilespmem:s20+$0xFFFFFF40] =	vst v3;
	v0 =	vld.idx.msk [tilespmem:v9+s4+$0x0], $0xffff  }
.Ltmp5:
0xc8: {  	[tilespmem:s20+$0xFFFFFF50] =	vst v4;
	v1 =	vld.idx.msk [tilespmem:v10+s4+$0x0], $0xffff;
	(pc) =	sbr.rel @p0 .LBB2_13-.Ltmp5, $4  }
0xc9: {  	[tilespmem:s20+$0xFFFFFF60] =	vst v5;
	v2 =	vld.idx.msk [tilespmem:v11+s4+$0x0], $0xffff  }
0xca: {  	[tilespmem:s20+$0xFFFFFF70] =	vst v7;
	v3 =	vld.idx.msk [tilespmem:v12+s4+$0x0], $0xffff  }
0xcb: {  	[tilespmem:s20+$0xFFFFFF00] =	vst v14;
	v4 =	vld.idx.msk [tilespmem:v13+s4+$0x0], $0xffff  }
0xcc: {  	s22 =	sadd.s32 $0x200, s22;
	[tilespmem:s20+$0x0] =	vst v8;
	v5 =	vld.idx.msk [tilespmem:v6+s4+$0x0], $0xffff  }
0xcd: {  	[tilespmem:s20+$0x10] =	vst v0  }
0xce: {  	[tilespmem:s20+$0x20] =	vst v1;
	s18 =	sadd.s32 s18, s19  }
0xcf: {  	[tilespmem:s20+$0x30] =	vst v2;
	s19 =	sadd.s32 $0xC800, s18  }
0xd0: {  	[tilespmem:s20+$0x40] =	vst v3;
	s19 =	sshrl.u32 s19, $0x3  }
0xd1: {  	s21 =	simm.s32 $0x1B980;
	[tilespmem:s20+$0x50] =	vst v4;
	s19 =	sadd.s32 s5, s19  }
0xd2: {  	s22 =	simm.s32 $0x1BA80;
	[tilespmem:s20+$0x60] =	vst v5;
	s20 =	simm.s32 $0x80;
	s23 =	sadd.s32 $0x0, s19  }
.LBB2_15:
0xd3: {  	[hbm4b:s23+s4] =	stream.linear.scatter [tilespmem:s21], [sflag:$0x4], $0x80, $0x38;
	[tilespmem:$0x1EB00] =	vst v63  }
0xd4: {  	s23 =	smov.u32 s20;
	s21 =	smov.u32 s22;
	p0 =	sne.s32 s20, $0x1880  }
.Ltmp6:
0xd5: {  	s20 =	sadd.s32 $0x80, s20;
	(pc) =	sbr.rel @p0 .LBB2_15-.Ltmp6, $2  }
0xd6: {  	_ =	sdelay $0x2  }
0xd7: {  	s22 =	sadd.s32 $0x100, s22;
	s23 =	sadd.s32 s23, s19  }
0xd8: {  	[hbm4b:s23+s4] =	stream.linear.scatter [tilespmem:s21], [sflag:$0x4], $0x80, $0x38;
	[tilespmem:$0x1EB00] =	vst v63  }
0xd9: {  	s19 =	sadd.s32 $0x25800, s17  }
0xda: {  	s19 =	sshrl.u32 s19, $0x3  }
0xdb: {  	s20 =	simm.s32 $0x18780;
	s19 =	sadd.s32 s2, s19  }
0xdc: {  	s21 =	simm.s32 $0x80;
	s22 =	simm.s32 $0x18880;
	s23 =	sadd.s32 $0x0, s19  }
.LBB2_17:
0xdd: {  	[tilespmem:s20], [sflag:$0x2] =	stream.linear.gather [hbm4b:s23+s4], $0x80, $0x38;
	[tilespmem:$0x1EB00] =	vst v63  }
0xde: {  	s23 =	smov.u32 s21;
	s20 =	smov.u32 s22;
	p0 =	sne.s32 s21, $0x1880  }
.Ltmp7:
0xdf: {  	s21 =	sadd.s32 $0x80, s21;
	(pc) =	sbr.rel @p0 .LBB2_17-.Ltmp7, $2  }
0xe0: {  	_ =	sdelay $0x2  }
0xe1: {  	s22 =	sadd.s32 $0x100, s22;
	s23 =	sadd.s32 s23, s19  }
0xe2: {  	[tilespmem:s20], [sflag:$0x2] =	stream.linear.gather [hbm4b:s23+s4], $0x80, $0x38;
	[tilespmem:$0x1EB00] =	vst v63  }
0xe3: {  	_ =	swait.ge [sflag:s11], $0x1900  }
0xe4: {  	[sflag:s11] =	ssyncset.done $0x0  }
0xe5: {  	[sflag:s11] =	ssyncadd.s32 $0xFFFFE700  }
0xe6: {  	_ =	swait.ge [sflag:s13], $0x1900  }
0xe7: {  	[sflag:s13] =	ssyncset.done $0x0  }
0xe8: {  	s19 =	simm.s32 $0x18800;
	[sflag:s13] =	ssyncadd.s32 $0xFFFFE700  }
0xe9: {  	v0 =	vld [tilespmem:s19+$0x70]  }
0xea: {  	v1 =	vld [tilespmem:s19+$0xFFFFFF10]  }
0xeb: {  	v2 =	vld [tilespmem:s19+$0xFFFFFF20]  }
0xec: {  	v3 =	vld [tilespmem:s19+$0xFFFFFF30]  }
0xed: {  	v4 =	vld [tilespmem:s19+$0xFFFFFF40]  }
0xee: {  	v5 =	vld [tilespmem:s19+$0xFFFFFF50]  }
0xef: {  	v6 =	vld [tilespmem:s19+$0xFFFFFF60]  }
0xf0: {  	v7 =	vld [tilespmem:s19+$0xFFFFFF70]  }
0xf1: {  	v8 =	vld [tilespmem:s19+$0x0]  }
0xf2: {  	v9 =	vld [tilespmem:s19+$0x10]  }
0xf3: {  	v10 =	vld [tilespmem:s19+$0x20]  }
0xf4: {  	v11 =	vld [tilespmem:s19+$0x30]  }
0xf5: {  	v12 =	vld [tilespmem:s19+$0x40]  }
0xf6: {  	v13 =	vld [tilespmem:s19+$0x50]  }
0xf7: {  	v14 =	vld [tilespmem:s19+$0x60]  }
0xf8: {  	v15 =	vld [tilespmem:s19+$0xFFFFFF00]  }
0xf9: {  	v0 =	vld.idx.msk [tilespmem:v0+s4+$0x0], $0xffff  }
0xfa: {  	v1 =	vld.idx.msk [tilespmem:v1+s4+$0x0], $0xffff  }
0xfb: {  	v2 =	vld.idx.msk [tilespmem:v2+s4+$0x0], $0xffff  }
0xfc: {  	v3 =	vld.idx.msk [tilespmem:v3+s4+$0x0], $0xffff  }
0xfd: {  	v4 =	vld.idx.msk [tilespmem:v4+s4+$0x0], $0xffff  }
0xfe: {  	s19 =	simm.s32 $0x1BA00;
	v5 =	vld.idx.msk [tilespmem:v5+s4+$0x0], $0xffff  }
0xff: {  	v6 =	vld.idx.msk [tilespmem:v6+s4+$0x0], $0xffff;
	[tilespmem:s19+$0x70] =	vst v0  }
0x100: {  	v7 =	vld.idx.msk [tilespmem:v7+s4+$0x0], $0xffff;
	[tilespmem:s19+$0xFFFFFF10] =	vst v1  }
0x101: {  	v15 =	vld.idx.msk [tilespmem:v15+s4+$0x0], $0xffff;
	[tilespmem:s19+$0xFFFFFF20] =	vst v2  }
0x102: {  	v8 =	vld.idx.msk [tilespmem:v8+s4+$0x0], $0xffff;
	[tilespmem:s19+$0xFFFFFF30] =	vst v3  }
0x103: {  	[tilespmem:s19+$0xFFFFFF40] =	vst v4;
	v0 =	vld.idx.msk [tilespmem:v9+s4+$0x0], $0xffff  }
0x104: {  	[tilespmem:s19+$0xFFFFFF50] =	vst v5;
	v1 =	vld.idx.msk [tilespmem:v10+s4+$0x0], $0xffff  }
0x105: {  	[tilespmem:s19+$0xFFFFFF60] =	vst v6;
	v2 =	vld.idx.msk [tilespmem:v11+s4+$0x0], $0xffff  }
0x106: {  	[tilespmem:s19+$0xFFFFFF70] =	vst v7;
	v3 =	vld.idx.msk [tilespmem:v12+s4+$0x0], $0xffff  }
0x107: {  	[tilespmem:s19+$0xFFFFFF00] =	vst v15;
	v4 =	vld.idx.msk [tilespmem:v13+s4+$0x0], $0xffff  }
0x108: {  	s20 =	simm.s32 $0x0;
	s21 =	simm.s32 $0x18A00;
	[tilespmem:s19+$0x0] =	vst v8;
	v5 =	vld.idx.msk [tilespmem:v14+s4+$0x0], $0xffff  }
.LBB2_19:
0x109: {  	v6 =	vld [tilespmem:s21+$0x70];
	s20 =	sadd.s32 $0x100, s20;
	[tilespmem:s19+$0x10] =	vst v0  }
0x10a: {  	v0 =	vld [tilespmem:s21+$0xFFFFFF10];
	p0 =	slt.u32 s20, $0x1800;
	[tilespmem:s19+$0x20] =	vst v1  }
0x10b: {  	v1 =	vld [tilespmem:s21+$0xFFFFFF20];
	[tilespmem:s19+$0x30] =	vst v2  }
0x10c: {  	v2 =	vld [tilespmem:s21+$0xFFFFFF30];
	[tilespmem:s19+$0x40] =	vst v3  }
0x10d: {  	v3 =	vld [tilespmem:s21+$0xFFFFFF40];
	[tilespmem:s19+$0x50] =	vst v4  }
0x10e: {  	v4 =	vld [tilespmem:s21+$0xFFFFFF50];
	[tilespmem:s19+$0x60] =	vst v5  }
0x10f: {  	v5 =	vld [tilespmem:s21+$0xFFFFFF60]  }
0x110: {  	v7 =	vld [tilespmem:s21+$0xFFFFFF70]  }
0x111: {  	v6 =	vld.idx.msk [tilespmem:v6+s4+$0x0], $0xffff  }
0x112: {  	v8 =	vld [tilespmem:s21+$0x0]  }
0x113: {  	v9 =	vld [tilespmem:s21+$0x10]  }
0x114: {  	v10 =	vld [tilespmem:s21+$0x20]  }
0x115: {  	v11 =	vld [tilespmem:s21+$0x30]  }
0x116: {  	s19 =	sadd.s32 $0x200, s19;
	v12 =	vld [tilespmem:s21+$0x40]  }
0x117: {  	v13 =	vld [tilespmem:s21+$0x50];
	[tilespmem:s19+$0x70] =	vst v6  }
0x118: {  	v6 =	vld [tilespmem:s21+$0x60]  }
0x119: {  	v14 =	vld [tilespmem:s21+$0xFFFFFF00]  }
0x11a: {  	v0 =	vld.idx.msk [tilespmem:v0+s4+$0x0], $0xffff  }
0x11b: {  	v1 =	vld.idx.msk [tilespmem:v1+s4+$0x0], $0xffff  }
0x11c: {  	v2 =	vld.idx.msk [tilespmem:v2+s4+$0x0], $0xffff  }
0x11d: {  	v3 =	vld.idx.msk [tilespmem:v3+s4+$0x0], $0xffff  }
0x11e: {  	v4 =	vld.idx.msk [tilespmem:v4+s4+$0x0], $0xffff  }
0x11f: {  	v5 =	vld.idx.msk [tilespmem:v5+s4+$0x0], $0xffff  }
0x120: {  	[tilespmem:s19+$0xFFFFFF10] =	vst v0;
	v7 =	vld.idx.msk [tilespmem:v7+s4+$0x0], $0xffff  }
0x121: {  	v14 =	vld.idx.msk [tilespmem:v14+s4+$0x0], $0xffff;
	[tilespmem:s19+$0xFFFFFF20] =	vst v1  }
0x122: {  	[tilespmem:s19+$0xFFFFFF30] =	vst v2;
	v8 =	vld.idx.msk [tilespmem:v8+s4+$0x0], $0xffff  }
0x123: {  	[tilespmem:s19+$0xFFFFFF40] =	vst v3;
	v0 =	vld.idx.msk [tilespmem:v9+s4+$0x0], $0xffff  }
.Ltmp8:
0x124: {  	[tilespmem:s19+$0xFFFFFF50] =	vst v4;
	v1 =	vld.idx.msk [tilespmem:v10+s4+$0x0], $0xffff;
	(pc) =	sbr.rel @p0 .LBB2_19-.Ltmp8, $4  }
0x125: {  	[tilespmem:s19+$0xFFFFFF60] =	vst v5;
	v2 =	vld.idx.msk [tilespmem:v11+s4+$0x0], $0xffff  }
0x126: {  	[tilespmem:s19+$0xFFFFFF70] =	vst v7;
	v3 =	vld.idx.msk [tilespmem:v12+s4+$0x0], $0xffff  }
0x127: {  	[tilespmem:s19+$0xFFFFFF00] =	vst v14;
	v4 =	vld.idx.msk [tilespmem:v13+s4+$0x0], $0xffff  }
0x128: {  	s21 =	sadd.s32 $0x200, s21;
	[tilespmem:s19+$0x0] =	vst v8;
	v5 =	vld.idx.msk [tilespmem:v6+s4+$0x0], $0xffff  }
0x129: {  	[tilespmem:s19+$0x10] =	vst v0  }
0x12a: {  	[tilespmem:s19+$0x20] =	vst v1  }
0x12b: {  	s20 =	sadd.s32 $0x19000, s18;
	[tilespmem:s19+$0x30] =	vst v2  }
0x12c: {  	s20 =	sshrl.u32 s20, $0x3;
	[tilespmem:s19+$0x40] =	vst v3  }
0x12d: {  	s21 =	simm.s32 $0x1B900;
	s20 =	sadd.s32 s5, s20;
	[tilespmem:s19+$0x50] =	vst v4  }
0x12e: {  	s22 =	simm.s32 $0x1BA00;
	s23 =	sadd.s32 $0x0, s20;
	[tilespmem:s19+$0x60] =	vst v5;
	s19 =	simm.s32 $0x80  }
.LBB2_21:
0x12f: {  	[hbm4b:s23+s4] =	stream.linear.scatter [tilespmem:s21], [sflag:$0x3], $0x80, $0x38;
	[tilespmem:$0x1EB00] =	vst v63  }
0x130: {  	s23 =	smov.u32 s19;
	s21 =	smov.u32 s22;
	p0 =	sne.s32 s19, $0x1880  }
.Ltmp9:
0x131: {  	s19 =	sadd.s32 $0x80, s19;
	(pc) =	sbr.rel @p0 .LBB2_21-.Ltmp9, $2  }
0x132: {  	_ =	sdelay $0x2  }
0x133: {  	s22 =	sadd.s32 $0x100, s22;
	s23 =	sadd.s32 s23, s20  }
0x134: {  	[hbm4b:s23+s4] =	stream.linear.scatter [tilespmem:s21], [sflag:$0x3], $0x80, $0x38;
	[tilespmem:$0x1EB00] =	vst v63  }
0x135: {  	s19 =	sadd.s32 $0x32000, s17  }
0x136: {  	s19 =	sshrl.u32 s19, $0x3  }
0x137: {  	s20 =	simm.s32 $0x18700;
	s19 =	sadd.s32 s2, s19  }
0x138: {  	s21 =	simm.s32 $0x80;
	s22 =	simm.s32 $0x18800;
	s23 =	sadd.s32 $0x0, s19  }
.LBB2_23:
0x139: {  	[tilespmem:s20], [sflag:$0x1] =	stream.linear.gather [hbm4b:s23+s4], $0x80, $0x38;
	[tilespmem:$0x1EB00] =	vst v63  }
0x13a: {  	s23 =	smov.u32 s21;
	s20 =	smov.u32 s22;
	p0 =	sne.s32 s21, $0x1880  }
.Ltmp10:
0x13b: {  	s21 =	sadd.s32 $0x80, s21;
	(pc) =	sbr.rel @p0 .LBB2_23-.Ltmp10, $2  }
0x13c: {  	_ =	sdelay $0x2  }
0x13d: {  	s22 =	sadd.s32 $0x100, s22;
	s23 =	sadd.s32 s23, s19  }
0x13e: {  	[tilespmem:s20], [sflag:$0x1] =	stream.linear.gather [hbm4b:s23+s4], $0x80, $0x38;
	[tilespmem:$0x1EB00] =	vst v63  }
0x13f: {  	_ =	swait.ge [sflag:s12], $0x1900  }
0x140: {  	[sflag:s12] =	ssyncset.done $0x0  }
0x141: {  	[sflag:s12] =	ssyncadd.s32 $0xFFFFE700  }
0x142: {  	_ =	swait.ge [sflag:s14], $0x1900  }
0x143: {  	[sflag:s14] =	ssyncset.done $0x0  }
0x144: {  	s19 =	simm.s32 $0x18880;
	[sflag:s14] =	ssyncadd.s32 $0xFFFFE700  }
0x145: {  	v0 =	vld [tilespmem:s19+$0x70]  }
0x146: {  	v1 =	vld [tilespmem:s19+$0xFFFFFF10]  }
0x147: {  	v2 =	vld [tilespmem:s19+$0xFFFFFF20]  }
0x148: {  	v3 =	vld [tilespmem:s19+$0xFFFFFF30]  }
0x149: {  	v4 =	vld [tilespmem:s19+$0xFFFFFF40]  }
0x14a: {  	v5 =	vld [tilespmem:s19+$0xFFFFFF50]  }
0x14b: {  	v6 =	vld [tilespmem:s19+$0xFFFFFF60]  }
0x14c: {  	v7 =	vld [tilespmem:s19+$0xFFFFFF70]  }
0x14d: {  	v8 =	vld [tilespmem:s19+$0x0]  }
0x14e: {  	v9 =	vld [tilespmem:s19+$0x10]  }
0x14f: {  	v10 =	vld [tilespmem:s19+$0x20]  }
0x150: {  	v11 =	vld [tilespmem:s19+$0x30]  }
0x151: {  	v12 =	vld [tilespmem:s19+$0x40]  }
0x152: {  	v13 =	vld [tilespmem:s19+$0x50]  }
0x153: {  	v14 =	vld [tilespmem:s19+$0x60]  }
0x154: {  	v15 =	vld [tilespmem:s19+$0xFFFFFF00]  }
0x155: {  	v0 =	vld.idx.msk [tilespmem:v0+s4+$0x0], $0xffff  }
0x156: {  	v1 =	vld.idx.msk [tilespmem:v1+s4+$0x0], $0xffff  }
0x157: {  	v2 =	vld.idx.msk [tilespmem:v2+s4+$0x0], $0xffff  }
0x158: {  	v3 =	vld.idx.msk [tilespmem:v3+s4+$0x0], $0xffff  }
0x159: {  	v4 =	vld.idx.msk [tilespmem:v4+s4+$0x0], $0xffff  }
0x15a: {  	s19 =	simm.s32 $0x1BA80;
	v5 =	vld.idx.msk [tilespmem:v5+s4+$0x0], $0xffff  }
0x15b: {  	v6 =	vld.idx.msk [tilespmem:v6+s4+$0x0], $0xffff;
	[tilespmem:s19+$0x70] =	vst v0  }
0x15c: {  	v7 =	vld.idx.msk [tilespmem:v7+s4+$0x0], $0xffff;
	[tilespmem:s19+$0xFFFFFF10] =	vst v1  }
0x15d: {  	v15 =	vld.idx.msk [tilespmem:v15+s4+$0x0], $0xffff;
	[tilespmem:s19+$0xFFFFFF20] =	vst v2  }
0x15e: {  	v8 =	vld.idx.msk [tilespmem:v8+s4+$0x0], $0xffff;
	[tilespmem:s19+$0xFFFFFF30] =	vst v3  }
0x15f: {  	[tilespmem:s19+$0xFFFFFF40] =	vst v4;
	v0 =	vld.idx.msk [tilespmem:v9+s4+$0x0], $0xffff  }
0x160: {  	[tilespmem:s19+$0xFFFFFF50] =	vst v5;
	v1 =	vld.idx.msk [tilespmem:v10+s4+$0x0], $0xffff  }
0x161: {  	[tilespmem:s19+$0xFFFFFF60] =	vst v6;
	v2 =	vld.idx.msk [tilespmem:v11+s4+$0x0], $0xffff  }
0x162: {  	[tilespmem:s19+$0xFFFFFF70] =	vst v7;
	v3 =	vld.idx.msk [tilespmem:v12+s4+$0x0], $0xffff  }
0x163: {  	[tilespmem:s19+$0xFFFFFF00] =	vst v15;
	v4 =	vld.idx.msk [tilespmem:v13+s4+$0x0], $0xffff  }
0x164: {  	s20 =	simm.s32 $0x0;
	s21 =	simm.s32 $0x18A80;
	[tilespmem:s19+$0x0] =	vst v8;
	v5 =	vld.idx.msk [tilespmem:v14+s4+$0x0], $0xffff  }
.LBB2_25:
0x165: {  	v6 =	vld [tilespmem:s21+$0x70];
	s20 =	sadd.s32 $0x100, s20;
	[tilespmem:s19+$0x10] =	vst v0  }
0x166: {  	v0 =	vld [tilespmem:s21+$0xFFFFFF10];
	p0 =	slt.u32 s20, $0x1800;
	[tilespmem:s19+$0x20] =	vst v1  }
0x167: {  	v1 =	vld [tilespmem:s21+$0xFFFFFF20];
	[tilespmem:s19+$0x30] =	vst v2  }
0x168: {  	v2 =	vld [tilespmem:s21+$0xFFFFFF30];
	[tilespmem:s19+$0x40] =	vst v3  }
0x169: {  	v3 =	vld [tilespmem:s21+$0xFFFFFF40];
	[tilespmem:s19+$0x50] =	vst v4  }
0x16a: {  	v4 =	vld [tilespmem:s21+$0xFFFFFF50];
	[tilespmem:s19+$0x60] =	vst v5  }
0x16b: {  	v5 =	vld [tilespmem:s21+$0xFFFFFF60]  }
0x16c: {  	v7 =	vld [tilespmem:s21+$0xFFFFFF70]  }
0x16d: {  	v6 =	vld.idx.msk [tilespmem:v6+s4+$0x0], $0xffff  }
0x16e: {  	v8 =	vld [tilespmem:s21+$0x0]  }
0x16f: {  	v9 =	vld [tilespmem:s21+$0x10]  }
0x170: {  	v10 =	vld [tilespmem:s21+$0x20]  }
0x171: {  	v11 =	vld [tilespmem:s21+$0x30]  }
0x172: {  	s19 =	sadd.s32 $0x200, s19;
	v12 =	vld [tilespmem:s21+$0x40]  }
0x173: {  	v13 =	vld [tilespmem:s21+$0x50];
	[tilespmem:s19+$0x70] =	vst v6  }
0x174: {  	v6 =	vld [tilespmem:s21+$0x60]  }
0x175: {  	v14 =	vld [tilespmem:s21+$0xFFFFFF00]  }
0x176: {  	v0 =	vld.idx.msk [tilespmem:v0+s4+$0x0], $0xffff  }
0x177: {  	v1 =	vld.idx.msk [tilespmem:v1+s4+$0x0], $0xffff  }
0x178: {  	v2 =	vld.idx.msk [tilespmem:v2+s4+$0x0], $0xffff  }
0x179: {  	v3 =	vld.idx.msk [tilespmem:v3+s4+$0x0], $0xffff  }
0x17a: {  	v4 =	vld.idx.msk [tilespmem:v4+s4+$0x0], $0xffff  }
0x17b: {  	v5 =	vld.idx.msk [tilespmem:v5+s4+$0x0], $0xffff  }
0x17c: {  	[tilespmem:s19+$0xFFFFFF10] =	vst v0;
	v7 =	vld.idx.msk [tilespmem:v7+s4+$0x0], $0xffff  }
0x17d: {  	v14 =	vld.idx.msk [tilespmem:v14+s4+$0x0], $0xffff;
	[tilespmem:s19+$0xFFFFFF20] =	vst v1  }
0x17e: {  	[tilespmem:s19+$0xFFFFFF30] =	vst v2;
	v8 =	vld.idx.msk [tilespmem:v8+s4+$0x0], $0xffff  }
0x17f: {  	[tilespmem:s19+$0xFFFFFF40] =	vst v3;
	v0 =	vld.idx.msk [tilespmem:v9+s4+$0x0], $0xffff  }
.Ltmp11:
0x180: {  	[tilespmem:s19+$0xFFFFFF50] =	vst v4;
	v1 =	vld.idx.msk [tilespmem:v10+s4+$0x0], $0xffff;
	(pc) =	sbr.rel @p0 .LBB2_25-.Ltmp11, $4  }
0x181: {  	[tilespmem:s19+$0xFFFFFF60] =	vst v5;
	v2 =	vld.idx.msk [tilespmem:v11+s4+$0x0], $0xffff  }
0x182: {  	[tilespmem:s19+$0xFFFFFF70] =	vst v7;
	v3 =	vld.idx.msk [tilespmem:v12+s4+$0x0], $0xffff  }
0x183: {  	[tilespmem:s19+$0xFFFFFF00] =	vst v14;
	v4 =	vld.idx.msk [tilespmem:v13+s4+$0x0], $0xffff  }
0x184: {  	s21 =	sadd.s32 $0x200, s21;
	[tilespmem:s19+$0x0] =	vst v8;
	v5 =	vld.idx.msk [tilespmem:v6+s4+$0x0], $0xffff  }
0x185: {  	[tilespmem:s19+$0x10] =	vst v0  }
0x186: {  	[tilespmem:s19+$0x20] =	vst v1  }
0x187: {  	s20 =	sadd.s32 $0x25800, s18;
	[tilespmem:s19+$0x30] =	vst v2  }
0x188: {  	s20 =	sshrl.u32 s20, $0x3;
	[tilespmem:s19+$0x40] =	vst v3  }
0x189: {  	s21 =	simm.s32 $0x1B980;
	s20 =	sadd.s32 s5, s20;
	[tilespmem:s19+$0x50] =	vst v4  }
0x18a: {  	s22 =	simm.s32 $0x1BA80;
	s23 =	sadd.s32 $0x0, s20;
	[tilespmem:s19+$0x60] =	vst v5;
	s19 =	simm.s32 $0x80  }
.LBB2_27:
0x18b: {  	[hbm4b:s23+s4] =	stream.linear.scatter [tilespmem:s21], [sflag:$0x4], $0x80, $0x38;
	[tilespmem:$0x1EB00] =	vst v63  }
0x18c: {  	s23 =	smov.u32 s19;
	s21 =	smov.u32 s22;
	p0 =	sne.s32 s19, $0x1880  }
.Ltmp12:
0x18d: {  	s19 =	sadd.s32 $0x80, s19;
	(pc) =	sbr.rel @p0 .LBB2_27-.Ltmp12, $2  }
0x18e: {  	_ =	sdelay $0x2  }
0x18f: {  	s22 =	sadd.s32 $0x100, s22;
	s23 =	sadd.s32 s23, s20  }
0x190: {  	[hbm4b:s23+s4] =	stream.linear.scatter [tilespmem:s21], [sflag:$0x4], $0x80, $0x38;
	[tilespmem:$0x1EB00] =	vst v63  }
0x191: {  	s19 =	sadd.s32 $0x3E800, s17  }
0x192: {  	s19 =	sshrl.u32 s19, $0x3  }
0x193: {  	s20 =	simm.s32 $0x18780;
	s19 =	sadd.s32 s2, s19  }
0x194: {  	s21 =	simm.s32 $0x80;
	s22 =	simm.s32 $0x18880;
	s23 =	sadd.s32 $0x0, s19  }
.LBB2_29:
0x195: {  	[tilespmem:s20], [sflag:$0x2] =	stream.linear.gather [hbm4b:s23+s4], $0x80, $0x38;
	[tilespmem:$0x1EB00] =	vst v63  }
0x196: {  	s23 =	smov.u32 s21;
	s20 =	smov.u32 s22;
	p0 =	sne.s32 s21, $0x1880  }
.Ltmp13:
0x197: {  	s21 =	sadd.s32 $0x80, s21;
	(pc) =	sbr.rel @p0 .LBB2_29-.Ltmp13, $2  }
0x198: {  	_ =	sdelay $0x2  }
0x199: {  	s22 =	sadd.s32 $0x100, s22;
	s23 =	sadd.s32 s23, s19  }
0x19a: {  	[tilespmem:s20], [sflag:$0x2] =	stream.linear.gather [hbm4b:s23+s4], $0x80, $0x38;
	[tilespmem:$0x1EB00] =	vst v63  }
0x19b: {  	_ =	swait.ge [sflag:s11], $0x1900  }
0x19c: {  	[sflag:s11] =	ssyncset.done $0x0  }
0x19d: {  	[sflag:s11] =	ssyncadd.s32 $0xFFFFE700  }
0x19e: {  	_ =	swait.ge [sflag:s13], $0x1900  }
0x19f: {  	[sflag:s13] =	ssyncset.done $0x0  }
0x1a0: {  	s19 =	simm.s32 $0x18800;
	[sflag:s13] =	ssyncadd.s32 $0xFFFFE700  }
0x1a1: {  	v0 =	vld [tilespmem:s19+$0x70]  }
0x1a2: {  	v1 =	vld [tilespmem:s19+$0xFFFFFF10]  }
0x1a3: {  	v2 =	vld [tilespmem:s19+$0xFFFFFF20]  }
0x1a4: {  	v3 =	vld [tilespmem:s19+$0xFFFFFF30]  }
0x1a5: {  	v4 =	vld [tilespmem:s19+$0xFFFFFF40]  }
0x1a6: {  	v5 =	vld [tilespmem:s19+$0xFFFFFF50]  }
0x1a7: {  	v6 =	vld [tilespmem:s19+$0xFFFFFF60]  }
0x1a8: {  	v7 =	vld [tilespmem:s19+$0xFFFFFF70]  }
0x1a9: {  	v8 =	vld [tilespmem:s19+$0x0]  }
0x1aa: {  	v9 =	vld [tilespmem:s19+$0x10]  }
0x1ab: {  	v10 =	vld [tilespmem:s19+$0x20]  }
0x1ac: {  	v11 =	vld [tilespmem:s19+$0x30]  }
0x1ad: {  	v12 =	vld [tilespmem:s19+$0x40]  }
0x1ae: {  	v13 =	vld [tilespmem:s19+$0x50]  }
0x1af: {  	v14 =	vld [tilespmem:s19+$0x60]  }
0x1b0: {  	v15 =	vld [tilespmem:s19+$0xFFFFFF00]  }
0x1b1: {  	v0 =	vld.idx.msk [tilespmem:v0+s4+$0x0], $0xffff  }
0x1b2: {  	v1 =	vld.idx.msk [tilespmem:v1+s4+$0x0], $0xffff  }
0x1b3: {  	v2 =	vld.idx.msk [tilespmem:v2+s4+$0x0], $0xffff  }
0x1b4: {  	v3 =	vld.idx.msk [tilespmem:v3+s4+$0x0], $0xffff  }
0x1b5: {  	v4 =	vld.idx.msk [tilespmem:v4+s4+$0x0], $0xffff  }
0x1b6: {  	s19 =	simm.s32 $0x1BA00;
	v5 =	vld.idx.msk [tilespmem:v5+s4+$0x0], $0xffff  }
0x1b7: {  	v6 =	vld.idx.msk [tilespmem:v6+s4+$0x0], $0xffff;
	[tilespmem:s19+$0x70] =	vst v0  }
0x1b8: {  	v7 =	vld.idx.msk [tilespmem:v7+s4+$0x0], $0xffff;
	[tilespmem:s19+$0xFFFFFF10] =	vst v1  }
0x1b9: {  	v15 =	vld.idx.msk [tilespmem:v15+s4+$0x0], $0xffff;
	[tilespmem:s19+$0xFFFFFF20] =	vst v2  }
0x1ba: {  	v8 =	vld.idx.msk [tilespmem:v8+s4+$0x0], $0xffff;
	[tilespmem:s19+$0xFFFFFF30] =	vst v3  }
0x1bb: {  	[tilespmem:s19+$0xFFFFFF40] =	vst v4;
	v0 =	vld.idx.msk [tilespmem:v9+s4+$0x0], $0xffff  }
0x1bc: {  	[tilespmem:s19+$0xFFFFFF50] =	vst v5;
	v1 =	vld.idx.msk [tilespmem:v10+s4+$0x0], $0xffff  }
0x1bd: {  	[tilespmem:s19+$0xFFFFFF60] =	vst v6;
	v2 =	vld.idx.msk [tilespmem:v11+s4+$0x0], $0xffff  }
0x1be: {  	[tilespmem:s19+$0xFFFFFF70] =	vst v7;
	v3 =	vld.idx.msk [tilespmem:v12+s4+$0x0], $0xffff  }
0x1bf: {  	[tilespmem:s19+$0xFFFFFF00] =	vst v15;
	v4 =	vld.idx.msk [tilespmem:v13+s4+$0x0], $0xffff  }
0x1c0: {  	s20 =	simm.s32 $0x0;
	s21 =	simm.s32 $0x18A00;
	[tilespmem:s19+$0x0] =	vst v8;
	v5 =	vld.idx.msk [tilespmem:v14+s4+$0x0], $0xffff  }
.LBB2_31:
0x1c1: {  	v6 =	vld [tilespmem:s21+$0x70];
	s20 =	sadd.s32 $0x100, s20;
	[tilespmem:s19+$0x10] =	vst v0  }
0x1c2: {  	v0 =	vld [tilespmem:s21+$0xFFFFFF10];
	p0 =	slt.u32 s20, $0x1800;
	[tilespmem:s19+$0x20] =	vst v1  }
0x1c3: {  	v1 =	vld [tilespmem:s21+$0xFFFFFF20];
	[tilespmem:s19+$0x30] =	vst v2  }
0x1c4: {  	v2 =	vld [tilespmem:s21+$0xFFFFFF30];
	[tilespmem:s19+$0x40] =	vst v3  }
0x1c5: {  	v3 =	vld [tilespmem:s21+$0xFFFFFF40];
	[tilespmem:s19+$0x50] =	vst v4  }
0x1c6: {  	v4 =	vld [tilespmem:s21+$0xFFFFFF50];
	[tilespmem:s19+$0x60] =	vst v5  }
0x1c7: {  	v5 =	vld [tilespmem:s21+$0xFFFFFF60]  }
0x1c8: {  	v7 =	vld [tilespmem:s21+$0xFFFFFF70]  }
0x1c9: {  	v6 =	vld.idx.msk [tilespmem:v6+s4+$0x0], $0xffff  }
0x1ca: {  	v8 =	vld [tilespmem:s21+$0x0]  }
0x1cb: {  	v9 =	vld [tilespmem:s21+$0x10]  }
0x1cc: {  	v10 =	vld [tilespmem:s21+$0x20]  }
0x1cd: {  	v11 =	vld [tilespmem:s21+$0x30]  }
0x1ce: {  	s19 =	sadd.s32 $0x200, s19;
	v12 =	vld [tilespmem:s21+$0x40]  }
0x1cf: {  	v13 =	vld [tilespmem:s21+$0x50];
	[tilespmem:s19+$0x70] =	vst v6  }
0x1d0: {  	v6 =	vld [tilespmem:s21+$0x60]  }
0x1d1: {  	v14 =	vld [tilespmem:s21+$0xFFFFFF00]  }
0x1d2: {  	v0 =	vld.idx.msk [tilespmem:v0+s4+$0x0], $0xffff  }
0x1d3: {  	v1 =	vld.idx.msk [tilespmem:v1+s4+$0x0], $0xffff  }
0x1d4: {  	v2 =	vld.idx.msk [tilespmem:v2+s4+$0x0], $0xffff  }
0x1d5: {  	v3 =	vld.idx.msk [tilespmem:v3+s4+$0x0], $0xffff  }
0x1d6: {  	v4 =	vld.idx.msk [tilespmem:v4+s4+$0x0], $0xffff  }
0x1d7: {  	v5 =	vld.idx.msk [tilespmem:v5+s4+$0x0], $0xffff  }
0x1d8: {  	[tilespmem:s19+$0xFFFFFF10] =	vst v0;
	v7 =	vld.idx.msk [tilespmem:v7+s4+$0x0], $0xffff  }
0x1d9: {  	v14 =	vld.idx.msk [tilespmem:v14+s4+$0x0], $0xffff;
	[tilespmem:s19+$0xFFFFFF20] =	vst v1  }
0x1da: {  	[tilespmem:s19+$0xFFFFFF30] =	vst v2;
	v8 =	vld.idx.msk [tilespmem:v8+s4+$0x0], $0xffff  }
0x1db: {  	[tilespmem:s19+$0xFFFFFF40] =	vst v3;
	v0 =	vld.idx.msk [tilespmem:v9+s4+$0x0], $0xffff  }
.Ltmp14:
0x1dc: {  	[tilespmem:s19+$0xFFFFFF50] =	vst v4;
	v1 =	vld.idx.msk [tilespmem:v10+s4+$0x0], $0xffff;
	(pc) =	sbr.rel @p0 .LBB2_31-.Ltmp14, $4  }
0x1dd: {  	[tilespmem:s19+$0xFFFFFF60] =	vst v5;
	v2 =	vld.idx.msk [tilespmem:v11+s4+$0x0], $0xffff  }
0x1de: {  	[tilespmem:s19+$0xFFFFFF70] =	vst v7;
	v3 =	vld.idx.msk [tilespmem:v12+s4+$0x0], $0xffff  }
0x1df: {  	[tilespmem:s19+$0xFFFFFF00] =	vst v14;
	v4 =	vld.idx.msk [tilespmem:v13+s4+$0x0], $0xffff  }
0x1e0: {  	s21 =	sadd.s32 $0x200, s21;
	[tilespmem:s19+$0x0] =	vst v8;
	v5 =	vld.idx.msk [tilespmem:v6+s4+$0x0], $0xffff  }
0x1e1: {  	[tilespmem:s19+$0x10] =	vst v0  }
0x1e2: {  	[tilespmem:s19+$0x20] =	vst v1  }
0x1e3: {  	s20 =	sadd.s32 $0x32000, s18;
	[tilespmem:s19+$0x30] =	vst v2  }
0x1e4: {  	s20 =	sshrl.u32 s20, $0x3;
	[tilespmem:s19+$0x40] =	vst v3  }
0x1e5: {  	s21 =	simm.s32 $0x1B900;
	s20 =	sadd.s32 s5, s20;
	[tilespmem:s19+$0x50] =	vst v4  }
0x1e6: {  	s22 =	simm.s32 $0x1BA00;
	s23 =	sadd.s32 $0x0, s20;
	[tilespmem:s19+$0x60] =	vst v5;
	s19 =	simm.s32 $0x80  }
.LBB2_33:
0x1e7: {  	[hbm4b:s23+s4] =	stream.linear.scatter [tilespmem:s21], [sflag:$0x3], $0x80, $0x38;
	[tilespmem:$0x1EB00] =	vst v63  }
0x1e8: {  	s23 =	smov.u32 s19;
	s21 =	smov.u32 s22;
	p0 =	sne.s32 s19, $0x1880  }
.Ltmp15:
0x1e9: {  	s19 =	sadd.s32 $0x80, s19;
	(pc) =	sbr.rel @p0 .LBB2_33-.Ltmp15, $2  }
0x1ea: {  	_ =	sdelay $0x2  }
0x1eb: {  	s22 =	sadd.s32 $0x100, s22;
	s23 =	sadd.s32 s23, s20  }
0x1ec: {  	[hbm4b:s23+s4] =	stream.linear.scatter [tilespmem:s21], [sflag:$0x3], $0x80, $0x38;
	[tilespmem:$0x1EB00] =	vst v63  }
0x1ed: {  	s19 =	sadd.s32 $0x4B000, s17  }
0x1ee: {  	s19 =	sshrl.u32 s19, $0x3  }
0x1ef: {  	s20 =	simm.s32 $0x18700;
	s19 =	sadd.s32 s2, s19  }
0x1f0: {  	s21 =	simm.s32 $0x80;
	s22 =	simm.s32 $0x18800;
	s23 =	sadd.s32 $0x0, s19  }
.LBB2_35:
0x1f1: {  	[tilespmem:s20], [sflag:$0x1] =	stream.linear.gather [hbm4b:s23+s4], $0x80, $0x38;
	[tilespmem:$0x1EB00] =	vst v63  }
0x1f2: {  	s23 =	smov.u32 s21;
	s20 =	smov.u32 s22;
	p0 =	sne.s32 s21, $0x1880  }
.Ltmp16:
0x1f3: {  	s21 =	sadd.s32 $0x80, s21;
	(pc) =	sbr.rel @p0 .LBB2_35-.Ltmp16, $2  }
0x1f4: {  	_ =	sdelay $0x2  }
0x1f5: {  	s22 =	sadd.s32 $0x100, s22;
	s23 =	sadd.s32 s23, s19  }
0x1f6: {  	[tilespmem:s20], [sflag:$0x1] =	stream.linear.gather [hbm4b:s23+s4], $0x80, $0x38;
	[tilespmem:$0x1EB00] =	vst v63  }
0x1f7: {  	_ =	swait.ge [sflag:s12], $0x1900  }
0x1f8: {  	[sflag:s12] =	ssyncset.done $0x0  }
0x1f9: {  	[sflag:s12] =	ssyncadd.s32 $0xFFFFE700  }
0x1fa: {  	_ =	swait.ge [sflag:s14], $0x1900  }
0x1fb: {  	[sflag:s14] =	ssyncset.done $0x0  }
0x1fc: {  	s19 =	simm.s32 $0x18880;
	[sflag:s14] =	ssyncadd.s32 $0xFFFFE700  }
0x1fd: {  	v0 =	vld [tilespmem:s19+$0x70]  }
0x1fe: {  	v1 =	vld [tilespmem:s19+$0xFFFFFF10]  }
0x1ff: {  	v2 =	vld [tilespmem:s19+$0xFFFFFF20]  }
0x200: {  	v3 =	vld [tilespmem:s19+$0xFFFFFF30]  }
0x201: {  	v4 =	vld [tilespmem:s19+$0xFFFFFF40]  }
0x202: {  	v5 =	vld [tilespmem:s19+$0xFFFFFF50]  }
0x203: {  	v6 =	vld [tilespmem:s19+$0xFFFFFF60]  }
0x204: {  	v7 =	vld [tilespmem:s19+$0xFFFFFF70]  }
0x205: {  	v8 =	vld [tilespmem:s19+$0x0]  }
0x206: {  	v9 =	vld [tilespmem:s19+$0x10]  }
0x207: {  	v10 =	vld [tilespmem:s19+$0x20]  }
0x208: {  	v11 =	vld [tilespmem:s19+$0x30]  }
0x209: {  	v12 =	vld [tilespmem:s19+$0x40]  }
0x20a: {  	v13 =	vld [tilespmem:s19+$0x50]  }
0x20b: {  	v14 =	vld [tilespmem:s19+$0x60]  }
0x20c: {  	v15 =	vld [tilespmem:s19+$0xFFFFFF00]  }
0x20d: {  	v0 =	vld.idx.msk [tilespmem:v0+s4+$0x0], $0xffff  }
0x20e: {  	v1 =	vld.idx.msk [tilespmem:v1+s4+$0x0], $0xffff  }
0x20f: {  	v2 =	vld.idx.msk [tilespmem:v2+s4+$0x0], $0xffff  }
0x210: {  	v3 =	vld.idx.msk [tilespmem:v3+s4+$0x0], $0xffff  }
0x211: {  	v4 =	vld.idx.msk [tilespmem:v4+s4+$0x0], $0xffff  }
0x212: {  	s19 =	simm.s32 $0x1BA80;
	v5 =	vld.idx.msk [tilespmem:v5+s4+$0x0], $0xffff  }
0x213: {  	v6 =	vld.idx.msk [tilespmem:v6+s4+$0x0], $0xffff;
	[tilespmem:s19+$0x70] =	vst v0  }
0x214: {  	v7 =	vld.idx.msk [tilespmem:v7+s4+$0x0], $0xffff;
	[tilespmem:s19+$0xFFFFFF10] =	vst v1  }
0x215: {  	v15 =	vld.idx.msk [tilespmem:v15+s4+$0x0], $0xffff;
	[tilespmem:s19+$0xFFFFFF20] =	vst v2  }
0x216: {  	v8 =	vld.idx.msk [tilespmem:v8+s4+$0x0], $0xffff;
	[tilespmem:s19+$0xFFFFFF30] =	vst v3  }
0x217: {  	[tilespmem:s19+$0xFFFFFF40] =	vst v4;
	v0 =	vld.idx.msk [tilespmem:v9+s4+$0x0], $0xffff  }
0x218: {  	[tilespmem:s19+$0xFFFFFF50] =	vst v5;
	v1 =	vld.idx.msk [tilespmem:v10+s4+$0x0], $0xffff  }
0x219: {  	[tilespmem:s19+$0xFFFFFF60] =	vst v6;
	v2 =	vld.idx.msk [tilespmem:v11+s4+$0x0], $0xffff  }
0x21a: {  	[tilespmem:s19+$0xFFFFFF70] =	vst v7;
	v3 =	vld.idx.msk [tilespmem:v12+s4+$0x0], $0xffff  }
0x21b: {  	[tilespmem:s19+$0xFFFFFF00] =	vst v15;
	v4 =	vld.idx.msk [tilespmem:v13+s4+$0x0], $0xffff  }
0x21c: {  	s20 =	simm.s32 $0x0;
	s21 =	simm.s32 $0x18A80;
	[tilespmem:s19+$0x0] =	vst v8;
	v5 =	vld.idx.msk [tilespmem:v14+s4+$0x0], $0xffff  }
.LBB2_37:
0x21d: {  	v6 =	vld [tilespmem:s21+$0x70];
	s20 =	sadd.s32 $0x100, s20;
	[tilespmem:s19+$0x10] =	vst v0  }
0x21e: {  	v0 =	vld [tilespmem:s21+$0xFFFFFF10];
	p0 =	slt.u32 s20, $0x1800;
	[tilespmem:s19+$0x20] =	vst v1  }
0x21f: {  	v1 =	vld [tilespmem:s21+$0xFFFFFF20];
	[tilespmem:s19+$0x30] =	vst v2  }
0x220: {  	v2 =	vld [tilespmem:s21+$0xFFFFFF30];
	[tilespmem:s19+$0x40] =	vst v3  }
0x221: {  	v3 =	vld [tilespmem:s21+$0xFFFFFF40];
	[tilespmem:s19+$0x50] =	vst v4  }
0x222: {  	v4 =	vld [tilespmem:s21+$0xFFFFFF50];
	[tilespmem:s19+$0x60] =	vst v5  }
0x223: {  	v5 =	vld [tilespmem:s21+$0xFFFFFF60]  }
0x224: {  	v7 =	vld [tilespmem:s21+$0xFFFFFF70]  }
0x225: {  	v6 =	vld.idx.msk [tilespmem:v6+s4+$0x0], $0xffff  }
0x226: {  	v8 =	vld [tilespmem:s21+$0x0]  }
0x227: {  	v9 =	vld [tilespmem:s21+$0x10]  }
0x228: {  	v10 =	vld [tilespmem:s21+$0x20]  }
0x229: {  	v11 =	vld [tilespmem:s21+$0x30]  }
0x22a: {  	s19 =	sadd.s32 $0x200, s19;
	v12 =	vld [tilespmem:s21+$0x40]  }
0x22b: {  	v13 =	vld [tilespmem:s21+$0x50];
	[tilespmem:s19+$0x70] =	vst v6  }
0x22c: {  	v6 =	vld [tilespmem:s21+$0x60]  }
0x22d: {  	v14 =	vld [tilespmem:s21+$0xFFFFFF00]  }
0x22e: {  	v0 =	vld.idx.msk [tilespmem:v0+s4+$0x0], $0xffff  }
0x22f: {  	v1 =	vld.idx.msk [tilespmem:v1+s4+$0x0], $0xffff  }
0x230: {  	v2 =	vld.idx.msk [tilespmem:v2+s4+$0x0], $0xffff  }
0x231: {  	v3 =	vld.idx.msk [tilespmem:v3+s4+$0x0], $0xffff  }
0x232: {  	v4 =	vld.idx.msk [tilespmem:v4+s4+$0x0], $0xffff  }
0x233: {  	v5 =	vld.idx.msk [tilespmem:v5+s4+$0x0], $0xffff  }
0x234: {  	[tilespmem:s19+$0xFFFFFF10] =	vst v0;
	v7 =	vld.idx.msk [tilespmem:v7+s4+$0x0], $0xffff  }
0x235: {  	v14 =	vld.idx.msk [tilespmem:v14+s4+$0x0], $0xffff;
	[tilespmem:s19+$0xFFFFFF20] =	vst v1  }
0x236: {  	[tilespmem:s19+$0xFFFFFF30] =	vst v2;
	v8 =	vld.idx.msk [tilespmem:v8+s4+$0x0], $0xffff  }
0x237: {  	[tilespmem:s19+$0xFFFFFF40] =	vst v3;
	v0 =	vld.idx.msk [tilespmem:v9+s4+$0x0], $0xffff  }
.Ltmp17:
0x238: {  	[tilespmem:s19+$0xFFFFFF50] =	vst v4;
	v1 =	vld.idx.msk [tilespmem:v10+s4+$0x0], $0xffff;
	(pc) =	sbr.rel @p0 .LBB2_37-.Ltmp17, $4  }
0x239: {  	[tilespmem:s19+$0xFFFFFF60] =	vst v5;
	v2 =	vld.idx.msk [tilespmem:v11+s4+$0x0], $0xffff  }
0x23a: {  	[tilespmem:s19+$0xFFFFFF70] =	vst v7;
	v3 =	vld.idx.msk [tilespmem:v12+s4+$0x0], $0xffff  }
0x23b: {  	[tilespmem:s19+$0xFFFFFF00] =	vst v14;
	v4 =	vld.idx.msk [tilespmem:v13+s4+$0x0], $0xffff  }
0x23c: {  	s21 =	sadd.s32 $0x200, s21;
	[tilespmem:s19+$0x0] =	vst v8;
	v5 =	vld.idx.msk [tilespmem:v6+s4+$0x0], $0xffff  }
0x23d: {  	[tilespmem:s19+$0x10] =	vst v0  }
0x23e: {  	[tilespmem:s19+$0x20] =	vst v1  }
0x23f: {  	s20 =	sadd.s32 $0x3E800, s18;
	[tilespmem:s19+$0x30] =	vst v2  }
0x240: {  	s20 =	sshrl.u32 s20, $0x3;
	[tilespmem:s19+$0x40] =	vst v3  }
0x241: {  	s21 =	simm.s32 $0x1B980;
	s20 =	sadd.s32 s5, s20;
	[tilespmem:s19+$0x50] =	vst v4  }
0x242: {  	s22 =	simm.s32 $0x1BA80;
	s23 =	sadd.s32 $0x0, s20;
	[tilespmem:s19+$0x60] =	vst v5;
	s19 =	simm.s32 $0x80  }
.LBB2_39:
0x243: {  	[hbm4b:s23+s4] =	stream.linear.scatter [tilespmem:s21], [sflag:$0x4], $0x80, $0x38;
	[tilespmem:$0x1EB00] =	vst v63  }
0x244: {  	s23 =	smov.u32 s19;
	s21 =	smov.u32 s22;
	p0 =	sne.s32 s19, $0x1880  }
.Ltmp18:
0x245: {  	s19 =	sadd.s32 $0x80, s19;
	(pc) =	sbr.rel @p0 .LBB2_39-.Ltmp18, $2  }
0x246: {  	_ =	sdelay $0x2  }
0x247: {  	s22 =	sadd.s32 $0x100, s22;
	s23 =	sadd.s32 s23, s20  }
0x248: {  	[hbm4b:s23+s4] =	stream.linear.scatter [tilespmem:s21], [sflag:$0x4], $0x80, $0x38;
	[tilespmem:$0x1EB00] =	vst v63  }
0x249: {  	s17 =	sadd.s32 $0x57800, s17  }
0x24a: {  	s17 =	sshrl.u32 s17, $0x3  }
0x24b: {  	s19 =	simm.s32 $0x18780;
	s17 =	sadd.s32 s2, s17  }
0x24c: {  	s20 =	simm.s32 $0x80;
	s21 =	simm.s32 $0x18880;
	s22 =	sadd.s32 $0x0, s17  }
.LBB2_41:
0x24d: {  	[tilespmem:s19], [sflag:$0x2] =	stream.linear.gather [hbm4b:s22+s4], $0x80, $0x38;
	[tilespmem:$0x1EB00] =	vst v63  }
0x24e: {  	s22 =	smov.u32 s20;
	s19 =	smov.u32 s21;
	p0 =	sne.s32 s20, $0x1880  }
.Ltmp19:
0x24f: {  	s20 =	sadd.s32 $0x80, s20;
	(pc) =	sbr.rel @p0 .LBB2_41-.Ltmp19, $2  }
0x250: {  	_ =	sdelay $0x2  }
0x251: {  	s21 =	sadd.s32 $0x100, s21;
	s22 =	sadd.s32 s22, s17  }
0x252: {  	[tilespmem:s19], [sflag:$0x2] =	stream.linear.gather [hbm4b:s22+s4], $0x80, $0x38;
	[tilespmem:$0x1EB00] =	vst v63  }
0x253: {  	_ =	swait.ge [sflag:s11], $0x1900  }
0x254: {  	[sflag:s11] =	ssyncset.done $0x0  }
0x255: {  	[sflag:s11] =	ssyncadd.s32 $0xFFFFE700  }
0x256: {  	_ =	swait.ge [sflag:s13], $0x1900  }
0x257: {  	[sflag:s13] =	ssyncset.done $0x0  }
0x258: {  	s17 =	simm.s32 $0x18800;
	[sflag:s13] =	ssyncadd.s32 $0xFFFFE700  }
0x259: {  	v0 =	vld [tilespmem:s17+$0x70]  }
0x25a: {  	v1 =	vld [tilespmem:s17+$0xFFFFFF10]  }
0x25b: {  	v2 =	vld [tilespmem:s17+$0xFFFFFF20]  }
0x25c: {  	v3 =	vld [tilespmem:s17+$0xFFFFFF30]  }
0x25d: {  	v4 =	vld [tilespmem:s17+$0xFFFFFF40]  }
0x25e: {  	v5 =	vld [tilespmem:s17+$0xFFFFFF50]  }
0x25f: {  	v6 =	vld [tilespmem:s17+$0xFFFFFF60]  }
0x260: {  	v7 =	vld [tilespmem:s17+$0xFFFFFF70]  }
0x261: {  	v8 =	vld [tilespmem:s17+$0x0]  }
0x262: {  	v9 =	vld [tilespmem:s17+$0x10]  }
0x263: {  	v10 =	vld [tilespmem:s17+$0x20]  }
0x264: {  	v11 =	vld [tilespmem:s17+$0x30]  }
0x265: {  	v12 =	vld [tilespmem:s17+$0x40]  }
0x266: {  	v13 =	vld [tilespmem:s17+$0x50]  }
0x267: {  	v14 =	vld [tilespmem:s17+$0x60]  }
0x268: {  	v15 =	vld [tilespmem:s17+$0xFFFFFF00]  }
0x269: {  	v0 =	vld.idx.msk [tilespmem:v0+s4+$0x0], $0xffff  }
0x26a: {  	v1 =	vld.idx.msk [tilespmem:v1+s4+$0x0], $0xffff  }
0x26b: {  	v2 =	vld.idx.msk [tilespmem:v2+s4+$0x0], $0xffff  }
0x26c: {  	v3 =	vld.idx.msk [tilespmem:v3+s4+$0x0], $0xffff  }
0x26d: {  	v4 =	vld.idx.msk [tilespmem:v4+s4+$0x0], $0xffff  }
0x26e: {  	s17 =	simm.s32 $0x1BA00;
	v5 =	vld.idx.msk [tilespmem:v5+s4+$0x0], $0xffff  }
0x26f: {  	v6 =	vld.idx.msk [tilespmem:v6+s4+$0x0], $0xffff;
	[tilespmem:s17+$0x70] =	vst v0  }
0x270: {  	v7 =	vld.idx.msk [tilespmem:v7+s4+$0x0], $0xffff;
	[tilespmem:s17+$0xFFFFFF10] =	vst v1  }
0x271: {  	v15 =	vld.idx.msk [tilespmem:v15+s4+$0x0], $0xffff;
	[tilespmem:s17+$0xFFFFFF20] =	vst v2  }
0x272: {  	v8 =	vld.idx.msk [tilespmem:v8+s4+$0x0], $0xffff;
	[tilespmem:s17+$0xFFFFFF30] =	vst v3  }
0x273: {  	[tilespmem:s17+$0xFFFFFF40] =	vst v4;
	v0 =	vld.idx.msk [tilespmem:v9+s4+$0x0], $0xffff  }
0x274: {  	[tilespmem:s17+$0xFFFFFF50] =	vst v5;
	v1 =	vld.idx.msk [tilespmem:v10+s4+$0x0], $0xffff  }
0x275: {  	[tilespmem:s17+$0xFFFFFF60] =	vst v6;
	v2 =	vld.idx.msk [tilespmem:v11+s4+$0x0], $0xffff  }
0x276: {  	[tilespmem:s17+$0xFFFFFF70] =	vst v7;
	v3 =	vld.idx.msk [tilespmem:v12+s4+$0x0], $0xffff  }
0x277: {  	[tilespmem:s17+$0xFFFFFF00] =	vst v15;
	v4 =	vld.idx.msk [tilespmem:v13+s4+$0x0], $0xffff  }
0x278: {  	s19 =	simm.s32 $0x0;
	s20 =	simm.s32 $0x18A00;
	[tilespmem:s17+$0x0] =	vst v8;
	v5 =	vld.idx.msk [tilespmem:v14+s4+$0x0], $0xffff  }
.LBB2_43:
0x279: {  	v6 =	vld [tilespmem:s20+$0x70];
	s19 =	sadd.s32 $0x100, s19;
	[tilespmem:s17+$0x10] =	vst v0  }
0x27a: {  	v0 =	vld [tilespmem:s20+$0xFFFFFF10];
	p0 =	slt.u32 s19, $0x1800;
	[tilespmem:s17+$0x20] =	vst v1  }
0x27b: {  	v1 =	vld [tilespmem:s20+$0xFFFFFF20];
	[tilespmem:s17+$0x30] =	vst v2  }
0x27c: {  	v2 =	vld [tilespmem:s20+$0xFFFFFF30];
	[tilespmem:s17+$0x40] =	vst v3  }
0x27d: {  	v3 =	vld [tilespmem:s20+$0xFFFFFF40];
	[tilespmem:s17+$0x50] =	vst v4  }
0x27e: {  	v4 =	vld [tilespmem:s20+$0xFFFFFF50];
	[tilespmem:s17+$0x60] =	vst v5  }
0x27f: {  	v5 =	vld [tilespmem:s20+$0xFFFFFF60]  }
0x280: {  	v7 =	vld [tilespmem:s20+$0xFFFFFF70]  }
0x281: {  	v6 =	vld.idx.msk [tilespmem:v6+s4+$0x0], $0xffff  }
0x282: {  	v8 =	vld [tilespmem:s20+$0x0]  }
0x283: {  	v9 =	vld [tilespmem:s20+$0x10]  }
0x284: {  	v10 =	vld [tilespmem:s20+$0x20]  }
0x285: {  	v11 =	vld [tilespmem:s20+$0x30]  }
0x286: {  	s17 =	sadd.s32 $0x200, s17;
	v12 =	vld [tilespmem:s20+$0x40]  }
0x287: {  	v13 =	vld [tilespmem:s20+$0x50];
	[tilespmem:s17+$0x70] =	vst v6  }
0x288: {  	v6 =	vld [tilespmem:s20+$0x60]  }
0x289: {  	v14 =	vld [tilespmem:s20+$0xFFFFFF00]  }
0x28a: {  	v0 =	vld.idx.msk [tilespmem:v0+s4+$0x0], $0xffff  }
0x28b: {  	v1 =	vld.idx.msk [tilespmem:v1+s4+$0x0], $0xffff  }
0x28c: {  	v2 =	vld.idx.msk [tilespmem:v2+s4+$0x0], $0xffff  }
0x28d: {  	v3 =	vld.idx.msk [tilespmem:v3+s4+$0x0], $0xffff  }
0x28e: {  	v4 =	vld.idx.msk [tilespmem:v4+s4+$0x0], $0xffff  }
0x28f: {  	v5 =	vld.idx.msk [tilespmem:v5+s4+$0x0], $0xffff  }
0x290: {  	[tilespmem:s17+$0xFFFFFF10] =	vst v0;
	v7 =	vld.idx.msk [tilespmem:v7+s4+$0x0], $0xffff  }
0x291: {  	v14 =	vld.idx.msk [tilespmem:v14+s4+$0x0], $0xffff;
	[tilespmem:s17+$0xFFFFFF20] =	vst v1  }
0x292: {  	[tilespmem:s17+$0xFFFFFF30] =	vst v2;
	v8 =	vld.idx.msk [tilespmem:v8+s4+$0x0], $0xffff  }
0x293: {  	[tilespmem:s17+$0xFFFFFF40] =	vst v3;
	v0 =	vld.idx.msk [tilespmem:v9+s4+$0x0], $0xffff  }
.Ltmp20:
0x294: {  	[tilespmem:s17+$0xFFFFFF50] =	vst v4;
	v1 =	vld.idx.msk [tilespmem:v10+s4+$0x0], $0xffff;
	(pc) =	sbr.rel @p0 .LBB2_43-.Ltmp20, $4  }
0x295: {  	[tilespmem:s17+$0xFFFFFF60] =	vst v5;
	v2 =	vld.idx.msk [tilespmem:v11+s4+$0x0], $0xffff  }
0x296: {  	[tilespmem:s17+$0xFFFFFF70] =	vst v7;
	v3 =	vld.idx.msk [tilespmem:v12+s4+$0x0], $0xffff  }
0x297: {  	[tilespmem:s17+$0xFFFFFF00] =	vst v14;
	v4 =	vld.idx.msk [tilespmem:v13+s4+$0x0], $0xffff  }
0x298: {  	s20 =	sadd.s32 $0x200, s20;
	[tilespmem:s17+$0x0] =	vst v8;
	v5 =	vld.idx.msk [tilespmem:v6+s4+$0x0], $0xffff  }
0x299: {  	[tilespmem:s17+$0x10] =	vst v0  }
0x29a: {  	[tilespmem:s17+$0x20] =	vst v1  }
0x29b: {  	s19 =	sadd.s32 $0x4B000, s18;
	[tilespmem:s17+$0x30] =	vst v2  }
0x29c: {  	s19 =	sshrl.u32 s19, $0x3;
	[tilespmem:s17+$0x40] =	vst v3  }
0x29d: {  	s20 =	simm.s32 $0x1B900;
	s19 =	sadd.s32 s5, s19;
	[tilespmem:s17+$0x50] =	vst v4  }
0x29e: {  	s21 =	simm.s32 $0x1BA00;
	s22 =	sadd.s32 $0x0, s19;
	[tilespmem:s17+$0x60] =	vst v5;
	s17 =	simm.s32 $0x80  }
.LBB2_45:
0x29f: {  	[hbm4b:s22+s4] =	stream.linear.scatter [tilespmem:s20], [sflag:$0x3], $0x80, $0x38;
	[tilespmem:$0x1EB00] =	vst v63  }
0x2a0: {  	s22 =	smov.u32 s17;
	s20 =	smov.u32 s21;
	p0 =	sne.s32 s17, $0x1880  }
.Ltmp21:
0x2a1: {  	s17 =	sadd.s32 $0x80, s17;
	(pc) =	sbr.rel @p0 .LBB2_45-.Ltmp21, $2  }
0x2a2: {  	_ =	sdelay $0x2  }
0x2a3: {  	s21 =	sadd.s32 $0x100, s21;
	s22 =	sadd.s32 s22, s19  }
0x2a4: {  	[hbm4b:s22+s4] =	stream.linear.scatter [tilespmem:s20], [sflag:$0x3], $0x80, $0x38;
	[tilespmem:$0x1EB00] =	vst v63  }
0x2a5: {  	_ =	swait.ge [sflag:s12], $0x1900  }
0x2a6: {  	[sflag:s12] =	ssyncset.done $0x0  }
0x2a7: {  	[sflag:s12] =	ssyncadd.s32 $0xFFFFE700  }
0x2a8: {  	_ =	swait.ge [sflag:s14], $0x1900  }
0x2a9: {  	[sflag:s14] =	ssyncset.done $0x0  }
0x2aa: {  	s17 =	simm.s32 $0x18880;
	[sflag:s14] =	ssyncadd.s32 $0xFFFFE700  }
0x2ab: {  	v0 =	vld [tilespmem:s17+$0x70]  }
0x2ac: {  	v1 =	vld [tilespmem:s17+$0xFFFFFF10]  }
0x2ad: {  	v2 =	vld [tilespmem:s17+$0xFFFFFF20]  }
0x2ae: {  	v3 =	vld [tilespmem:s17+$0xFFFFFF30]  }
0x2af: {  	v4 =	vld [tilespmem:s17+$0xFFFFFF40]  }
0x2b0: {  	v5 =	vld [tilespmem:s17+$0xFFFFFF50]  }
0x2b1: {  	v6 =	vld [tilespmem:s17+$0xFFFFFF60]  }
0x2b2: {  	v7 =	vld [tilespmem:s17+$0xFFFFFF70]  }
0x2b3: {  	v8 =	vld [tilespmem:s17+$0x0]  }
0x2b4: {  	v9 =	vld [tilespmem:s17+$0x10]  }
0x2b5: {  	v10 =	vld [tilespmem:s17+$0x20]  }
0x2b6: {  	v11 =	vld [tilespmem:s17+$0x30]  }
0x2b7: {  	v12 =	vld [tilespmem:s17+$0x40]  }
0x2b8: {  	v13 =	vld [tilespmem:s17+$0x50]  }
0x2b9: {  	v14 =	vld [tilespmem:s17+$0x60]  }
0x2ba: {  	v15 =	vld [tilespmem:s17+$0xFFFFFF00]  }
0x2bb: {  	v0 =	vld.idx.msk [tilespmem:v0+s4+$0x0], $0xffff  }
0x2bc: {  	v1 =	vld.idx.msk [tilespmem:v1+s4+$0x0], $0xffff  }
0x2bd: {  	v2 =	vld.idx.msk [tilespmem:v2+s4+$0x0], $0xffff  }
0x2be: {  	v3 =	vld.idx.msk [tilespmem:v3+s4+$0x0], $0xffff  }
0x2bf: {  	v4 =	vld.idx.msk [tilespmem:v4+s4+$0x0], $0xffff  }
0x2c0: {  	s17 =	simm.s32 $0x1BA80;
	v5 =	vld.idx.msk [tilespmem:v5+s4+$0x0], $0xffff  }
0x2c1: {  	v6 =	vld.idx.msk [tilespmem:v6+s4+$0x0], $0xffff;
	[tilespmem:s17+$0x70] =	vst v0  }
0x2c2: {  	v7 =	vld.idx.msk [tilespmem:v7+s4+$0x0], $0xffff;
	[tilespmem:s17+$0xFFFFFF10] =	vst v1  }
0x2c3: {  	v15 =	vld.idx.msk [tilespmem:v15+s4+$0x0], $0xffff;
	[tilespmem:s17+$0xFFFFFF20] =	vst v2  }
0x2c4: {  	v8 =	vld.idx.msk [tilespmem:v8+s4+$0x0], $0xffff;
	[tilespmem:s17+$0xFFFFFF30] =	vst v3  }
0x2c5: {  	[tilespmem:s17+$0xFFFFFF40] =	vst v4;
	v0 =	vld.idx.msk [tilespmem:v9+s4+$0x0], $0xffff  }
0x2c6: {  	[tilespmem:s17+$0xFFFFFF50] =	vst v5;
	v1 =	vld.idx.msk [tilespmem:v10+s4+$0x0], $0xffff  }
0x2c7: {  	[tilespmem:s17+$0xFFFFFF60] =	vst v6;
	v2 =	vld.idx.msk [tilespmem:v11+s4+$0x0], $0xffff  }
0x2c8: {  	[tilespmem:s17+$0xFFFFFF70] =	vst v7;
	v3 =	vld.idx.msk [tilespmem:v12+s4+$0x0], $0xffff  }
0x2c9: {  	[tilespmem:s17+$0xFFFFFF00] =	vst v15;
	v4 =	vld.idx.msk [tilespmem:v13+s4+$0x0], $0xffff  }
0x2ca: {  	s19 =	simm.s32 $0x0;
	s20 =	simm.s32 $0x18A80;
	[tilespmem:s17+$0x0] =	vst v8;
	v5 =	vld.idx.msk [tilespmem:v14+s4+$0x0], $0xffff  }
.LBB2_47:
0x2cb: {  	v6 =	vld [tilespmem:s20+$0x70];
	s19 =	sadd.s32 $0x100, s19;
	[tilespmem:s17+$0x10] =	vst v0  }
0x2cc: {  	v0 =	vld [tilespmem:s20+$0xFFFFFF10];
	p0 =	slt.u32 s19, $0x1800;
	[tilespmem:s17+$0x20] =	vst v1  }
0x2cd: {  	v1 =	vld [tilespmem:s20+$0xFFFFFF20];
	[tilespmem:s17+$0x30] =	vst v2  }
0x2ce: {  	v2 =	vld [tilespmem:s20+$0xFFFFFF30];
	[tilespmem:s17+$0x40] =	vst v3  }
0x2cf: {  	v3 =	vld [tilespmem:s20+$0xFFFFFF40];
	[tilespmem:s17+$0x50] =	vst v4  }
0x2d0: {  	v4 =	vld [tilespmem:s20+$0xFFFFFF50];
	[tilespmem:s17+$0x60] =	vst v5  }
0x2d1: {  	v5 =	vld [tilespmem:s20+$0xFFFFFF60]  }
0x2d2: {  	v7 =	vld [tilespmem:s20+$0xFFFFFF70]  }
0x2d3: {  	v6 =	vld.idx.msk [tilespmem:v6+s4+$0x0], $0xffff  }
0x2d4: {  	v8 =	vld [tilespmem:s20+$0x0]  }
0x2d5: {  	v9 =	vld [tilespmem:s20+$0x10]  }
0x2d6: {  	v10 =	vld [tilespmem:s20+$0x20]  }
0x2d7: {  	v11 =	vld [tilespmem:s20+$0x30]  }
0x2d8: {  	s17 =	sadd.s32 $0x200, s17;
	v12 =	vld [tilespmem:s20+$0x40]  }
0x2d9: {  	v13 =	vld [tilespmem:s20+$0x50];
	[tilespmem:s17+$0x70] =	vst v6  }
0x2da: {  	v6 =	vld [tilespmem:s20+$0x60]  }
0x2db: {  	v14 =	vld [tilespmem:s20+$0xFFFFFF00]  }
0x2dc: {  	v0 =	vld.idx.msk [tilespmem:v0+s4+$0x0], $0xffff  }
0x2dd: {  	v1 =	vld.idx.msk [tilespmem:v1+s4+$0x0], $0xffff  }
0x2de: {  	v2 =	vld.idx.msk [tilespmem:v2+s4+$0x0], $0xffff  }
0x2df: {  	v3 =	vld.idx.msk [tilespmem:v3+s4+$0x0], $0xffff  }
0x2e0: {  	v4 =	vld.idx.msk [tilespmem:v4+s4+$0x0], $0xffff  }
0x2e1: {  	v5 =	vld.idx.msk [tilespmem:v5+s4+$0x0], $0xffff  }
0x2e2: {  	[tilespmem:s17+$0xFFFFFF10] =	vst v0;
	v7 =	vld.idx.msk [tilespmem:v7+s4+$0x0], $0xffff  }
0x2e3: {  	v14 =	vld.idx.msk [tilespmem:v14+s4+$0x0], $0xffff;
	[tilespmem:s17+$0xFFFFFF20] =	vst v1  }
0x2e4: {  	[tilespmem:s17+$0xFFFFFF30] =	vst v2;
	v8 =	vld.idx.msk [tilespmem:v8+s4+$0x0], $0xffff  }
0x2e5: {  	[tilespmem:s17+$0xFFFFFF40] =	vst v3;
	v0 =	vld.idx.msk [tilespmem:v9+s4+$0x0], $0xffff  }
.Ltmp22:
0x2e6: {  	[tilespmem:s17+$0xFFFFFF50] =	vst v4;
	v1 =	vld.idx.msk [tilespmem:v10+s4+$0x0], $0xffff;
	(pc) =	sbr.rel @p0 .LBB2_47-.Ltmp22, $4  }
0x2e7: {  	[tilespmem:s17+$0xFFFFFF60] =	vst v5;
	v2 =	vld.idx.msk [tilespmem:v11+s4+$0x0], $0xffff  }
0x2e8: {  	[tilespmem:s17+$0xFFFFFF70] =	vst v7;
	v3 =	vld.idx.msk [tilespmem:v12+s4+$0x0], $0xffff  }
0x2e9: {  	[tilespmem:s17+$0xFFFFFF00] =	vst v14;
	v4 =	vld.idx.msk [tilespmem:v13+s4+$0x0], $0xffff  }
0x2ea: {  	s20 =	sadd.s32 $0x200, s20;
	[tilespmem:s17+$0x0] =	vst v8;
	v5 =	vld.idx.msk [tilespmem:v6+s4+$0x0], $0xffff  }
0x2eb: {  	[tilespmem:s17+$0x10] =	vst v0  }
0x2ec: {  	[tilespmem:s17+$0x20] =	vst v1  }
0x2ed: {  	s18 =	sadd.s32 $0x57800, s18;
	[tilespmem:s17+$0x30] =	vst v2  }
0x2ee: {  	s18 =	sshrl.u32 s18, $0x3;
	[tilespmem:s17+$0x40] =	vst v3  }
0x2ef: {  	s19 =	simm.s32 $0x1B980;
	s18 =	sadd.s32 s5, s18;
	[tilespmem:s17+$0x50] =	vst v4  }
0x2f0: {  	s20 =	simm.s32 $0x1BA80;
	s21 =	sadd.s32 $0x0, s18;
	[tilespmem:s17+$0x60] =	vst v5;
	s17 =	simm.s32 $0x80  }
.LBB2_49:
0x2f1: {  	[hbm4b:s21+s4] =	stream.linear.scatter [tilespmem:s19], [sflag:$0x4], $0x80, $0x38;
	[tilespmem:$0x1EB00] =	vst v63  }
0x2f2: {  	s21 =	smov.u32 s17;
	s19 =	smov.u32 s20;
	p0 =	sne.s32 s17, $0x1880  }
.Ltmp23:
0x2f3: {  	s17 =	sadd.s32 $0x80, s17;
	(pc) =	sbr.rel @p0 .LBB2_49-.Ltmp23, $2  }
0x2f4: {  	_ =	sdelay $0x2  }
0x2f5: {  	s20 =	sadd.s32 $0x100, s20;
	s21 =	sadd.s32 s21, s18  }
0x2f6: {  	s16 =	sadd.s32 $0x1, s16  }
0x2f7: {  	p0 =	sne.s32 s16, $0x1A  }
.Ltmp24:
0x2f8: {  	_ = 	snop;
	(pc) =	sbr.rel @p0 .LBB2_2-.Ltmp24, $2  }
0x2f9: {  	_ =	sdelay $0x2  }
0x2fa: {  	[hbm4b:s21+s4] =	stream.linear.scatter [tilespmem:s19], [sflag:$0x4], $0x80, $0x38;
	[tilespmem:$0x1EB00] =	vst v63  }
0x2fb: {  	s15 =	sadd.s32 $0x1, s15  }
0x2fc: {  	_ =	swait.ge [sflag:s13], $0x1900;
	p0 =	sne.s32 s15, s7  }
.Ltmp25:
0x2fd: {  	[sflag:s13] =	ssyncset.done $0x0;
	(pc) =	sbr.rel @p0 .LBB2_1-.Ltmp25, $4  }
0x2fe: {  	[sflag:s13] =	ssyncadd.s32 $0xFFFFE700  }
0x2ff: {  	_ =	swait.ge [sflag:s14], $0x1900  }
0x300: {  	[sflag:s14] =	ssyncset.done $0x0  }
0x301: {  	[sflag:s14] =	ssyncadd.s32 $0xFFFFE700  }
0x302: {  	_ =	sfence.sel $0x180000  }
0x303: {  	[bflag:$0x0] =	sbarrier.arrive $0xFFFF  }
0x304: {  	p0 =	sne.s32 s3, $0x0;
	_ =	strace $0x90000047  }
0x305: {  	s0 =	sadd.s32 @!p0 $0x100000, s0;
	[bflag:$0x2] =	sbarrier.arrive $0xFFFF  }
0x306: {  	[sflag:s0] =	ssyncadd.tile.s32 @!p0 $0x1;
	_ =	shalt  }
.Lfunc_end2:
_tile_overlayer_lowered:
.L_overlay_start_2:
0x307: {  	(tag) =	ssettag $0x2  }
0x308: {  	s0 =	rddreg [dreg:$0x0];
	s2 =	stileid.u32  }
0x309: {  	s1 =	rddreg [dreg:$0x1];
	p0 =	sne.s32 s2, $0x0  }
0x30a: {  	s3 =	rddreg [dreg:$0x2];
	[bflag:$0x3] =	sbarrier.arrive $0xFFFF;
	s2 =	simm.s32 @!p0 $0x1C05  }
0x30b: {  	[timem:s3], [sflag:s2] =	dma.local @!p0 [hbm:s0], s1  }
0x30c: {  	s0 =	simm.s32 @!p0 $0x5  }
0x30d: {  	_ =	swait.ge @!p0 [sflag:s0], s1  }
0x30e: {  	s1 =	ssub.s32 @!p0 $0x0, s1;
	[sflag:s0] =	ssyncset.done @!p0 $0x0  }
0x30f: {  	[sflag:s0] =	ssyncadd.s32 @!p0 s1  }
0x310: {  	[bflag:$0x3] =	sbarrier.arrive $0xFFFF  }
0x311: {  	_ =	shalt  }

</sc_bundles>
